<compile_context>
chip_gen: v7x
topology: tpu7x:2x2x1
jax: 0.10.2.dev20260603
libtpu: 0.0.44.dev20260713+nightly
codegen_flags: <defaults>
</compile_context>

<pallas_src>
import functools

import jax
import jax.numpy as jnp
from jax import lax
from jax.experimental import pallas as pl
from jax.experimental.pallas import tpu as pltpu
from jax.experimental.pallas import tpu_sc as plsc

N = 10000
E = 160000
D = 256
DH = D // 2
EPS = 1e-5

NC = 2
NS = 16
LANES = 16

NPAD = 10240
RPT = NPAD // NS

EPAD = 163840
CH = 128

NCH_A = EPAD // (NS * CH)
NCH_D = EPAD // (NC * NS * CH)

DEG_W = 16
ZR = 64

_MESH = plsc.VectorSubcoreMesh(core_axis_name="c", subcore_axis_name="s")


@functools.partial(
    pl.kernel,
    out_type=jax.ShapeDtypeStruct((NC, NPAD, DEG_W), jnp.float32),
    mesh=_MESH,
    scratch_types=[
        pltpu.VMEM((NCH_D, CH), jnp.int32),
        pltpu.VMEM((CH, DEG_W), jnp.float32),
        pltpu.VMEM_SHARED((NPAD, DEG_W), jnp.float32),
    ],
)
def _sc_deg(dst_hbm, z_hbm, ones_hbm, out_hbm, idxc, ones_v, acc_sh):
    c = lax.axis_index("c")
    s = lax.axis_index("s")
    row0 = (c * NS + s) * NCH_D

    def zb(k, carry):
        pltpu.sync_copy(z_hbm, acc_sh.at[pl.ds(s * RPT + k * ZR, ZR)])
        return carry

    lax.fori_loop(0, RPT // ZR, zb, 0)
    pltpu.sync_copy(ones_hbm, ones_v)
    pltpu.sync_copy(dst_hbm.at[pl.ds(row0, NCH_D)], idxc)

    plsc.subcore_barrier()

    def add_chunk(j, carry):
        pltpu.sync_copy(ones_v, acc_sh.at[idxc.at[j]], add=True)
        return carry

    lax.fori_loop(0, NCH_D, add_chunk, 0)

    plsc.subcore_barrier()

    pltpu.sync_copy(
        acc_sh.at[pl.ds(s * RPT, RPT)],
        out_hbm.at[c].at[pl.ds(s * RPT, RPT)],
    )


@functools.partial(
    pl.kernel,
    out_type=jax.ShapeDtypeStruct((NC, NPAD, DH), jnp.float32),
    mesh=_MESH,
    scratch_types=[
        pltpu.VMEM((NCH_A, CH), jnp.int32),
        pltpu.VMEM((NCH_A, CH), jnp.int32),
        pltpu.VMEM((CH, DH), jnp.float32),
        pltpu.VMEM_SHARED((NPAD, DH), jnp.float32),
        pltpu.SemaphoreType.DMA,
    ],
)
def _sc_agg(g_hbm, src_hbm, dst_hbm, out_hbm, srcc, dstc, rows, acc_sh, sem):
    c = lax.axis_index("c")
    s = lax.axis_index("s")
    row0 = s * NCH_A

    pltpu.sync_copy(
        g_hbm.at[c].at[pl.ds(s * RPT, RPT)],
        acc_sh.at[pl.ds(s * RPT, RPT)],
    )
    pltpu.sync_copy(src_hbm.at[pl.ds(row0, NCH_A)], srcc)
    pltpu.sync_copy(dst_hbm.at[pl.ds(row0, NCH_A)], dstc)
    plsc.subcore_barrier()

    def chunk(j, carry):
        pltpu.async_copy(g_hbm.at[c].at[srcc.at[j]], rows, sem).wait()
        pltpu.sync_copy(rows, acc_sh.at[dstc.at[j]], add=True)
        return carry

    lax.fori_loop(0, NCH_A, chunk, 0)

    plsc.subcore_barrier()

    pltpu.sync_copy(
        acc_sh.at[pl.ds(s * RPT, RPT)],
        out_hbm.at[c].at[pl.ds(s * RPT, RPT)],
    )


BR = 400
GRID_R = N // BR

_row_spec = pl.BlockSpec((BR, D), lambda i: (i, 0))
_half_spec = pl.BlockSpec((NC, BR, DH), lambda i: (0, i, 0))
_vec_spec = pl.BlockSpec((1, D), lambda i: (0, 0))
_w_spec = pl.BlockSpec((D, D), lambda i: (0, 0))
_deg_spec = pl.BlockSpec((NC, BR, DEG_W), lambda i: (0, i, 0))
_vec_shape = jax.ShapeDtypeStruct((1, D), jnp.float32)
_mat_shape = jax.ShapeDtypeStruct((N, D), jnp.float32)
_half_shape = jax.ShapeDtypeStruct((NC, NPAD, DH), jnp.float32)


def _dis_of(degp):
    deg = degp[0, :, 0:1] + degp[1, :, 0:1] + 1.0
    return lax.rsqrt(deg)


def _stats1_body(x_ref, s_ref, q_ref):
    i = pl.program_id(0)

    @pl.when(i == 0)
    def _():
        s_ref[...] = jnp.zeros_like(s_ref)
        q_ref[...] = jnp.zeros_like(q_ref)

    xb = x_ref[...]
    s_ref[...] += jnp.sum(xb, axis=0, keepdims=True)
    q_ref[...] += jnp.sum(xb * xb, axis=0, keepdims=True)


_stats1 = pl.pallas_call(
    _stats1_body,
    grid=(GRID_R,),
    in_specs=[_row_spec],
    out_specs=[_vec_spec, _vec_spec],
    out_shape=[_vec_shape, _vec_shape],
)


def _apply1_body(x_ref, s_ref, q_ref, g_ref, b_ref, w_ref, degp_ref, out_ref):
    mu = s_ref[...] * (1.0 / N)
    var = q_ref[...] * (1.0 / N) - mu * mu
    sc = g_ref[...] * lax.rsqrt(var + EPS)
    tn = (x_ref[...] - mu) * sc + b_ref[...]
    h = jnp.dot(tn, w_ref[...], preferred_element_type=jnp.float32)
    h = h * _dis_of(degp_ref[...])
    out_ref[0, :, :] = h[:, :DH]
    out_ref[1, :, :] = h[:, DH:]


_apply1 = pl.pallas_call(
    _apply1_body,
    grid=(GRID_R,),
    in_specs=[_row_spec, _vec_spec, _vec_spec, _vec_spec, _vec_spec, _w_spec,
              _deg_spec],
    out_specs=_half_spec,
    out_shape=_half_shape,
)


def _stats2_body(a_ref, degp_ref, s_ref, q_ref):
    i = pl.program_id(0)

    @pl.when(i == 0)
    def _():
        s_ref[...] = jnp.zeros_like(s_ref)
        q_ref[...] = jnp.zeros_like(q_ref)

    a = a_ref[...]
    v = jnp.concatenate([a[0], a[1]], axis=1) * _dis_of(degp_ref[...])
    s_ref[...] += jnp.sum(v, axis=0, keepdims=True)
    q_ref[...] += jnp.sum(v * v, axis=0, keepdims=True)


_stats2 = pl.pallas_call(
    _stats2_body,
    grid=(GRID_R,),
    in_specs=[_half_spec, _deg_spec],
    out_specs=[_vec_spec, _vec_spec],
    out_shape=[_vec_shape, _vec_shape],
)


def _apply2_body(a_ref, s_ref, q_ref, g_ref, b_ref, w_ref, degp_ref, out_ref):
    dis = _dis_of(degp_ref[...])
    a = a_ref[...]
    v = jnp.concatenate([a[0], a[1]], axis=1) * dis
    mu = s_ref[...] * (1.0 / N)
    var = q_ref[...] * (1.0 / N) - mu * mu
    sc = g_ref[...] * lax.rsqrt(var + EPS)
    tn = (v - mu) * sc + b_ref[...]
    h = jnp.dot(tn, w_ref[...], preferred_element_type=jnp.float32)
    h = h * dis
    out_ref[0, :, :] = h[:, :DH]
    out_ref[1, :, :] = h[:, DH:]


_apply2 = pl.pallas_call(
    _apply2_body,
    grid=(GRID_R,),
    in_specs=[_half_spec, _vec_spec, _vec_spec, _vec_spec, _vec_spec, _w_spec,
              _deg_spec],
    out_specs=_half_spec,
    out_shape=_half_shape,
)


def _final_body(a_ref, degp_ref, b_ref, out_ref):
    dis = _dis_of(degp_ref[...])
    a = a_ref[...]
    v = jnp.concatenate([a[0], a[1]], axis=1) * dis
    out_ref[...] = jnp.maximum(v + b_ref[...], 0.0)


_final = pl.pallas_call(
    _final_body,
    grid=(GRID_R,),
    in_specs=[_half_spec, _deg_spec, _vec_spec],
    out_specs=_row_spec,
    out_shape=_mat_shape,
)


def kernel(x, edge_index, bn1_gamma, bn1_beta, W1, b1, bn2_gamma, bn2_beta,
           W2, b2):
    del b1
    src = edge_index[0]
    dst = edge_index[1]
    padi = N + (jnp.arange(EPAD - E, dtype=jnp.int32) % (NPAD - N))
    srcp = jnp.concatenate([src, padi]).reshape(EPAD // CH, CH)
    dstp = jnp.concatenate([dst, padi]).reshape(EPAD // CH, CH)

    g1r = bn1_gamma.reshape(1, D)
    b1r = bn1_beta.reshape(1, D)
    g2r = bn2_gamma.reshape(1, D)
    b2r = bn2_beta.reshape(1, D)
    bias2 = b2.reshape(1, D)

    zrows = jnp.zeros((ZR, DEG_W), jnp.float32)
    orows = jnp.ones((CH, DEG_W), jnp.float32)
    degp = _sc_deg(dstp, zrows, orows)
    s1, q1 = _stats1(x)
    g1 = _apply1(x, s1, q1, g1r, b1r, W1, degp)
    a1 = _sc_agg(g1, srcp, dstp)
    s2, q2 = _stats2(a1, degp)
    g2 = _apply2(a1, s2, q2, g2r, b2r, W2, degp)
    a2 = _sc_agg(g2, srcp, dstp)
    return _final(a2, degp, bias2)

# --- scband reference (transcript-rebuilt; emitter-appended) ---
"""Pipeline reference for scband-gcn4-13838384628226 (READ-ONLY COPY).

The authoritative reference and input builder live on the scoring server;
editing this copy changes nothing except your own understanding.
"""

import jax, jax.numpy as jnp
import numpy as np

N = 10000
E = 160000
D_IN = 256
D_HID = 256
D_OUT = 256
EPS = 1e-5


def batch_norm(x, gamma, beta):
    mean = jnp.mean(x, axis=0)
    var = jnp.var(x, axis=0)
    return (x - mean) / jnp.sqrt(var + EPS) * gamma + beta


def gcn_conv(x, W, b, src, dst, n):
    # x' = x @ W, then symmetric-normalized aggregation with self-loops (PyG GCNConv)
    h = x @ W
    loop = jnp.arange(n, dtype=src.dtype)
    src2 = jnp.concatenate([src, loop])
    dst2 = jnp.concatenate([dst, loop])
    deg = jnp.zeros((n,), dtype=h.dtype).at[dst2].add(1.0)
    dis = jnp.where(deg > 0, jax.lax.rsqrt(jnp.maximum(deg, 1e-12)), 0.0)
    norm = dis[src2] * dis[dst2]
    msg = h[src2] * norm[:, None]
    out = jnp.zeros_like(h).at[dst2].add(msg)
    return out + b


def glorot(key, fan_in, fan_out):
    lim = np.sqrt(6.0 / (fan_in + fan_out))
    return jax.random.uniform(key, (fan_in, fan_out), dtype=jnp.float32, minval=-lim, maxval=lim)


def setup_inputs(seed: int = 0):
    key = jax.random.key(seed)
    ks = jax.random.split(key, 6)
    x = jax.random.normal(ks[0], (N, D_IN), dtype=jnp.float32)
    edge_index = jax.random.randint(ks[1], (2, E), 0, N, dtype=jnp.int32)
    return {
        "x": x,
        "edge_index": edge_index,
        "bn1_gamma": jnp.ones((D_IN,), dtype=jnp.float32),
        "bn1_beta": jnp.zeros((D_IN,), dtype=jnp.float32),
        "W1": glorot(ks[2], D_IN, D_HID),
        "b1": jnp.zeros((D_HID,), dtype=jnp.float32),
        "bn2_gamma": jnp.ones((D_HID,), dtype=jnp.float32),
        "bn2_beta": jnp.zeros((D_HID,), dtype=jnp.float32),
        "W2": glorot(ks[3], D_HID, D_OUT),
        "b2": jnp.zeros((D_OUT,), dtype=jnp.float32),
    }


def reference(x, edge_index, bn1_gamma, bn1_beta, W1, b1, bn2_gamma, bn2_beta, W2, b2):
    src = edge_index[0]
    dst = edge_index[1]
    h = batch_norm(x, bn1_gamma, bn1_beta)
    h = gcn_conv(h, W1, b1, src, dst, N)
    h = batch_norm(h, bn2_gamma, bn2_beta)
    h = gcn_conv(h, W2, b2, src, dst, N)
    return jax.nn.relu(h)

if __name__ == "__main__":
    import jax
    _d = setup_inputs()
    print(jax.jit(kernel)(*tuple(_d.values())))

</pallas_src>

<mosaic_0001>
#map = affine_map<(d0, d1) -> (0, 0)>
#map1 = affine_map<(d0, d1) -> (0, 0, 0)>
module attributes {stable_mosaic.version = 14 : i64} {
  func.func @_sc_deg(%arg0: i32, %arg1: i32, %arg2: memref<1280x128xi32, #tpu.memory_space<hbm>>, %arg3: memref<64x16xf32, #tpu.memory_space<hbm>>, %arg4: memref<128x16xf32, #tpu.memory_space<hbm>>, %arg5: memref<2x10240x16xf32, #tpu.memory_space<hbm>>, %arg6: memref<40x128xi32, #tpu.memory_space<vmem>>, %arg7: memref<128x16xf32, #tpu.memory_space<vmem>>, %arg8: memref<10240x16xf32, #tpu.memory_space<vmem_shared>>) attributes {dimension_semantics = [#tpu.dimension_semantics<core_parallel>, #tpu.dimension_semantics<subcore_parallel>], iteration_bounds = array<i64: 2, 16>, scalar_prefetch = 0 : i64, scratch_operands = 3 : i64, tpu.core_type = #tpu.core_type<sc_vector_subcore>, window_params = [{transform_indices = #map}, {transform_indices = #map}, {transform_indices = #map}, {transform_indices = #map1}]} {
    %mul3A = arith.constant 16 : i32
    %mul3A_0 = arith.muli %arg0, %mul3A : i32
    %add3A = arith.addi %mul3A_0, %arg1 : i32
    %mul3A_1 = arith.constant 40 : i32
    %mul3A_2 = arith.muli %add3A, %mul3A_1 : i32
    %scan3A = arith.constant 0 : i32
    %scan3A_3 = arith.constant 0 : i32
    %scan3A_4 = arith.constant 10 : i32
    %scan3A_5 = arith.addi %scan3A_3, %scan3A_4 : i32
    %scan3A_6 = arith.constant 1 : i32
    scf.for %scan3A_19 = %scan3A_3 to %scan3A_5 step %scan3A_6  : i32 {
      %mul3A_20 = arith.constant 640 : i32
      %mul3A_21 = arith.muli %arg1, %mul3A_20 : i32
      %mul3A_22 = arith.constant 64 : i32
      %mul3A_23 = arith.muli %scan3A_19, %mul3A_22 : i32
      %add3A_24 = arith.addi %mul3A_21, %mul3A_23 : i32
      "tpu.region"() ({
        %run_scoped3A = tpu.sem_alloc : memref<!tpu.dma_semaphore, #tpu.memory_space<semaphore_mem>>
        %dma_start3A = arith.constant 0 : i32
        %dma_start3A_25 = tpu.memref_slice %arg8[%add3A_24, %dma_start3A] : memref<10240x16xf32, #tpu.memory_space<vmem_shared>> -> memref<64x16xf32, #tpu.memory_space<vmem_shared>>
        tpu.enqueue_dma source(%arg3 : memref<64x16xf32, #tpu.memory_space<hbm>>) target(%dma_start3A_25 : memref<64x16xf32, #tpu.memory_space<vmem_shared>>) target_semaphore(%run_scoped3A : memref<!tpu.dma_semaphore, #tpu.memory_space<semaphore_mem>>)
        %dma_wait3A = arith.constant 0 : i32
        %dma_wait3A_26 = tpu.memref_slice %arg8[%add3A_24, %dma_wait3A] : memref<10240x16xf32, #tpu.memory_space<vmem_shared>> -> memref<64x16xf32, #tpu.memory_space<vmem_shared>>
        tpu.wait_dma2 semaphore(%run_scoped3A : memref<!tpu.dma_semaphore, #tpu.memory_space<semaphore_mem>>) src(%arg3 : memref<64x16xf32, #tpu.memory_space<hbm>>) dst(%dma_wait3A_26 : memref<64x16xf32, #tpu.memory_space<vmem_shared>>)
        tpu.yield
      }) : () -> ()
    }
    %scan3A_7 = arith.constant 10 : i32
    "tpu.region"() ({
      %run_scoped3A = tpu.sem_alloc : memref<!tpu.dma_semaphore, #tpu.memory_space<semaphore_mem>>
      tpu.enqueue_dma source(%arg4 : memref<128x16xf32, #tpu.memory_space<hbm>>) target(%arg7 : memref<128x16xf32, #tpu.memory_space<vmem>>) target_semaphore(%run_scoped3A : memref<!tpu.dma_semaphore, #tpu.memory_space<semaphore_mem>>)
      tpu.wait_dma2 semaphore(%run_scoped3A : memref<!tpu.dma_semaphore, #tpu.memory_space<semaphore_mem>>) src(%arg4 : memref<128x16xf32, #tpu.memory_space<hbm>>) dst(%arg7 : memref<128x16xf32, #tpu.memory_space<vmem>>)
      tpu.yield
    }) : () -> ()
    "tpu.region"() ({
      %run_scoped3A = tpu.sem_alloc : memref<!tpu.dma_semaphore, #tpu.memory_space<semaphore_mem>>
      %dma_start3A = arith.constant 0 : i32
      %dma_start3A_19 = tpu.memref_slice %arg2[%mul3A_2, %dma_start3A] : memref<1280x128xi32, #tpu.memory_space<hbm>> -> memref<40x128xi32, #tpu.memory_space<hbm>>
      %dma_start3A_20 = arith.constant 0 : i32
      %dma_start3A_21 = tpu.memref_slice %arg2[%mul3A_2, %dma_start3A_20] : memref<1280x128xi32, #tpu.memory_space<hbm>> -> memref<40x128xi32, #tpu.memory_space<hbm>>
      tpu.enqueue_dma source(%dma_start3A_21 : memref<40x128xi32, #tpu.memory_space<hbm>>) target(%arg6 : memref<40x128xi32, #tpu.memory_space<vmem>>) target_semaphore(%run_scoped3A : memref<!tpu.dma_semaphore, #tpu.memory_space<semaphore_mem>>)
      %dma_wait3A = arith.constant 0 : i32
      %dma_wait3A_22 = tpu.memref_slice %arg2[%mul3A_2, %dma_wait3A] : memref<1280x128xi32, #tpu.memory_space<hbm>> -> memref<40x128xi32, #tpu.memory_space<hbm>>
      %dma_wait3A_23 = arith.constant 0 : i32
      %dma_wait3A_24 = tpu.memref_slice %arg2[%mul3A_2, %dma_wait3A_23] : memref<1280x128xi32, #tpu.memory_space<hbm>> -> memref<40x128xi32, #tpu.memory_space<hbm>>
      tpu.wait_dma2 semaphore(%run_scoped3A : memref<!tpu.dma_semaphore, #tpu.memory_space<semaphore_mem>>) src(%dma_wait3A_24 : memref<40x128xi32, #tpu.memory_space<hbm>>) dst(%arg6 : memref<40x128xi32, #tpu.memory_space<vmem>>)
      tpu.yield
    }) : () -> ()
    %barrier3A = arith.constant 0 : index
    tpu.barrier barrier_id(%barrier3A)
    %scan3A_8 = arith.constant 0 : i32
    %scan3A_9 = arith.constant 0 : i32
    %scan3A_10 = arith.constant 40 : i32
    %scan3A_11 = arith.addi %scan3A_9, %scan3A_10 : i32
    %scan3A_12 = arith.constant 1 : i32
    scf.for %scan3A_19 = %scan3A_9 to %scan3A_11 step %scan3A_12  : i32 {
      "tpu.region"() ({
        %run_scoped3A = tpu.sem_alloc : memref<!tpu.dma_semaphore, #tpu.memory_space<semaphore_mem>>
        %dma_start3A = arith.constant 0 : i32
        %dma_start3A_20 = tpu.memref_slice %arg6[%scan3A_19, %dma_start3A] : memref<40x128xi32, #tpu.memory_space<vmem>> -> memref<1x128xi32, #tpu.memory_space<vmem>>
        %dma_start3A_21 = tpu.memref_squeeze %dma_start3A_20 : memref<1x128xi32, #tpu.memory_space<vmem>> -> memref<128xi32, #tpu.memory_space<vmem>>
        %dma_start3A_22 = arith.constant 0 : i32
        %dma_start3A_23 = arith.constant 0 : i32
        %dma_start3A_24 = tpu.memref_slice %arg8[%dma_start3A_22, %dma_start3A_23] : memref<10240x16xf32, #tpu.memory_space<vmem_shared>> -> memref<10240x16xf32, #tpu.memory_space<vmem_shared>>
        tpu.enqueue_indirect_dma source(%arg7 : memref<128x16xf32, #tpu.memory_space<vmem>>) target(%dma_start3A_24 : memref<10240x16xf32, #tpu.memory_space<vmem_shared>>) offsets(%dma_start3A_21 : memref<128xi32, #tpu.memory_space<vmem>>) semaphore(%run_scoped3A : memref<!tpu.dma_semaphore, #tpu.memory_space<semaphore_mem>>) {add = true}
        %dma_wait3A = arith.constant 0 : i32
        %dma_wait3A_25 = tpu.memref_slice %arg6[%scan3A_19, %dma_wait3A] : memref<40x128xi32, #tpu.memory_space<vmem>> -> memref<1x128xi32, #tpu.memory_space<vmem>>
        %dma_wait3A_26 = tpu.memref_squeeze %dma_wait3A_25 : memref<1x128xi32, #tpu.memory_space<vmem>> -> memref<128xi32, #tpu.memory_space<vmem>>
        %dma_wait3A_27 = arith.constant 0 : i32
        %dma_wait3A_28 = arith.constant 0 : i32
        %dma_wait3A_29 = tpu.memref_slice %arg8[%dma_wait3A_27, %dma_wait3A_28] : memref<10240x16xf32, #tpu.memory_space<vmem_shared>> -> memref<10240x16xf32, #tpu.memory_space<vmem_shared>>
        tpu.wait_indirect_dma semaphore(%run_scoped3A : memref<!tpu.dma_semaphore, #tpu.memory_space<semaphore_mem>>) src(%arg7 : memref<128x16xf32, #tpu.memory_space<vmem>>) dst(%dma_wait3A_29 : memref<10240x16xf32, #tpu.memory_space<vmem_shared>>)
        tpu.yield
      }) : () -> ()
    }
    %scan3A_13 = arith.constant 40 : i32
    %barrier3A_14 = arith.constant 0 : index
    tpu.barrier barrier_id(%barrier3A_14)
    %mul3A_15 = arith.constant 640 : i32
    %mul3A_16 = arith.muli %arg1, %mul3A_15 : i32
    %mul3A_17 = arith.constant 640 : i32
    %mul3A_18 = arith.muli %arg1, %mul3A_17 : i32
    "tpu.region"() ({
      %run_scoped3A = tpu.sem_alloc : memref<!tpu.dma_semaphore, #tpu.memory_space<semaphore_mem>>
      %dma_start3A = arith.constant 0 : i32
      %dma_start3A_19 = arith.constant 0 : i32
      %dma_start3A_20 = tpu.memref_slice %arg5[%arg0, %dma_start3A, %dma_start3A_19] : memref<2x10240x16xf32, #tpu.memory_space<hbm>> -> memref<1x10240x16xf32, #tpu.memory_space<hbm>>
      %dma_start3A_21 = tpu.memref_squeeze %dma_start3A_20 : memref<1x10240x16xf32, #tpu.memory_space<hbm>> -> memref<10240x16xf32, #tpu.memory_space<hbm>>
      %dma_start3A_22 = arith.constant 0 : i32
      %dma_start3A_23 = tpu.memref_slice %dma_start3A_21[%mul3A_18, %dma_start3A_22] : memref<10240x16xf32, #tpu.memory_space<hbm>> -> memref<640x16xf32, #tpu.memory_space<hbm>>
      %dma_start3A_24 = arith.constant 0 : i32
      %dma_start3A_25 = tpu.memref_slice %arg8[%mul3A_16, %dma_start3A_24] : memref<10240x16xf32, #tpu.memory_space<vmem_shared>> -> memref<640x16xf32, #tpu.memory_space<vmem_shared>>
      tpu.enqueue_dma source(%dma_start3A_25 : memref<640x16xf32, #tpu.memory_space<vmem_shared>>) target(%dma_start3A_23 : memref<640x16xf32, #tpu.memory_space<hbm>>) target_semaphore(%run_scoped3A : memref<!tpu.dma_semaphore, #tpu.memory_space<semaphore_mem>>)
      %dma_wait3A = arith.constant 0 : i32
      %dma_wait3A_26 = arith.constant 0 : i32
      %dma_wait3A_27 = tpu.memref_slice %arg5[%arg0, %dma_wait3A, %dma_wait3A_26] : memref<2x10240x16xf32, #tpu.memory_space<hbm>> -> memref<1x10240x16xf32, #tpu.memory_space<hbm>>
      %dma_wait3A_28 = tpu.memref_squeeze %dma_wait3A_27 : memref<1x10240x16xf32, #tpu.memory_space<hbm>> -> memref<10240x16xf32, #tpu.memory_space<hbm>>
      %dma_wait3A_29 = arith.constant 0 : i32
      %dma_wait3A_30 = tpu.memref_slice %dma_wait3A_28[%mul3A_18, %dma_wait3A_29] : memref<10240x16xf32, #tpu.memory_space<hbm>> -> memref<640x16xf32, #tpu.memory_space<hbm>>
      %dma_wait3A_31 = arith.constant 0 : i32
      %dma_wait3A_32 = tpu.memref_slice %arg8[%mul3A_16, %dma_wait3A_31] : memref<10240x16xf32, #tpu.memory_space<vmem_shared>> -> memref<640x16xf32, #tpu.memory_space<vmem_shared>>
      tpu.wait_dma2 semaphore(%run_scoped3A : memref<!tpu.dma_semaphore, #tpu.memory_space<semaphore_mem>>) src(%dma_wait3A_32 : memref<640x16xf32, #tpu.memory_space<vmem_shared>>) dst(%dma_wait3A_30 : memref<640x16xf32, #tpu.memory_space<hbm>>)
      tpu.yield
    }) : () -> ()
    return
  }
}

#map = affine_map<(d0, d1) -> (0, 0, 0)>
#map1 = affine_map<(d0, d1) -> (0, 0)>
module attributes {stable_mosaic.version = 14 : i64} {
  func.func @_sc_agg(%arg0: i32, %arg1: i32, %arg2: memref<2x10240x128xf32, #tpu.memory_space<hbm>>, %arg3: memref<1280x128xi32, #tpu.memory_space<hbm>>, %arg4: memref<1280x128xi32, #tpu.memory_space<hbm>>, %arg5: memref<2x10240x128xf32, #tpu.memory_space<hbm>>, %arg6: memref<80x128xi32, #tpu.memory_space<vmem>>, %arg7: memref<80x128xi32, #tpu.memory_space<vmem>>, %arg8: memref<128x128xf32, #tpu.memory_space<vmem>>, %arg9: memref<10240x128xf32, #tpu.memory_space<vmem_shared>>, %arg10: memref<!tpu.dma_semaphore, #tpu.memory_space<semaphore_mem>>) attributes {dimension_semantics = [#tpu.dimension_semantics<core_parallel>, #tpu.dimension_semantics<subcore_parallel>], iteration_bounds = array<i64: 2, 16>, scalar_prefetch = 0 : i64, scratch_operands = 5 : i64, tpu.core_type = #tpu.core_type<sc_vector_subcore>, window_params = [{transform_indices = #map}, {transform_indices = #map1}, {transform_indices = #map1}, {transform_indices = #map}]} {
    %mul3A = arith.constant 80 : i32
    %mul3A_0 = arith.muli %arg1, %mul3A : i32
    %mul3A_1 = arith.constant 640 : i32
    %mul3A_2 = arith.muli %arg1, %mul3A_1 : i32
    %mul3A_3 = arith.constant 640 : i32
    %mul3A_4 = arith.muli %arg1, %mul3A_3 : i32
    "tpu.region"() ({
      %run_scoped3A = tpu.sem_alloc : memref<!tpu.dma_semaphore, #tpu.memory_space<semaphore_mem>>
      %dma_start3A = arith.constant 0 : i32
      %dma_start3A_15 = tpu.memref_slice %arg9[%mul3A_4, %dma_start3A] : memref<10240x128xf32, #tpu.memory_space<vmem_shared>> -> memref<640x128xf32, #tpu.memory_space<vmem_shared>>
      %dma_start3A_16 = arith.constant 0 : i32
      %dma_start3A_17 = arith.constant 0 : i32
      %dma_start3A_18 = tpu.memref_slice %arg2[%arg0, %dma_start3A_16, %dma_start3A_17] : memref<2x10240x128xf32, #tpu.memory_space<hbm>> -> memref<1x10240x128xf32, #tpu.memory_space<hbm>>
      %dma_start3A_19 = tpu.memref_squeeze %dma_start3A_18 : memref<1x10240x128xf32, #tpu.memory_space<hbm>> -> memref<10240x128xf32, #tpu.memory_space<hbm>>
      %dma_start3A_20 = arith.constant 0 : i32
      %dma_start3A_21 = tpu.memref_slice %dma_start3A_19[%mul3A_2, %dma_start3A_20] : memref<10240x128xf32, #tpu.memory_space<hbm>> -> memref<640x128xf32, #tpu.memory_space<hbm>>
      tpu.enqueue_dma source(%dma_start3A_21 : memref<640x128xf32, #tpu.memory_space<hbm>>) target(%dma_start3A_15 : memref<640x128xf32, #tpu.memory_space<vmem_shared>>) target_semaphore(%run_scoped3A : memref<!tpu.dma_semaphore, #tpu.memory_space<semaphore_mem>>)
      %dma_wait3A = arith.constant 0 : i32
      %dma_wait3A_22 = tpu.memref_slice %arg9[%mul3A_4, %dma_wait3A] : memref<10240x128xf32, #tpu.memory_space<vmem_shared>> -> memref<640x128xf32, #tpu.memory_space<vmem_shared>>
      %dma_wait3A_23 = arith.constant 0 : i32
      %dma_wait3A_24 = arith.constant 0 : i32
      %dma_wait3A_25 = tpu.memref_slice %arg2[%arg0, %dma_wait3A_23, %dma_wait3A_24] : memref<2x10240x128xf32, #tpu.memory_space<hbm>> -> memref<1x10240x128xf32, #tpu.memory_space<hbm>>
      %dma_wait3A_26 = tpu.memref_squeeze %dma_wait3A_25 : memref<1x10240x128xf32, #tpu.memory_space<hbm>> -> memref<10240x128xf32, #tpu.memory_space<hbm>>
      %dma_wait3A_27 = arith.constant 0 : i32
      %dma_wait3A_28 = tpu.memref_slice %dma_wait3A_26[%mul3A_2, %dma_wait3A_27] : memref<10240x128xf32, #tpu.memory_space<hbm>> -> memref<640x128xf32, #tpu.memory_space<hbm>>
      tpu.wait_dma2 semaphore(%run_scoped3A : memref<!tpu.dma_semaphore, #tpu.memory_space<semaphore_mem>>) src(%dma_wait3A_28 : memref<640x128xf32, #tpu.memory_space<hbm>>) dst(%dma_wait3A_22 : memref<640x128xf32, #tpu.memory_space<vmem_shared>>)
      tpu.yield
    }) : () -> ()
    "tpu.region"() ({
      %run_scoped3A = tpu.sem_alloc : memref<!tpu.dma_semaphore, #tpu.memory_space<semaphore_mem>>
      %dma_start3A = arith.constant 0 : i32
      %dma_start3A_15 = tpu.memref_slice %arg3[%mul3A_0, %dma_start3A] : memref<1280x128xi32, #tpu.memory_space<hbm>> -> memref<80x128xi32, #tpu.memory_space<hbm>>
      %dma_start3A_16 = arith.constant 0 : i32
      %dma_start3A_17 = tpu.memref_slice %arg3[%mul3A_0, %dma_start3A_16] : memref<1280x128xi32, #tpu.memory_space<hbm>> -> memref<80x128xi32, #tpu.memory_space<hbm>>
      tpu.enqueue_dma source(%dma_start3A_17 : memref<80x128xi32, #tpu.memory_space<hbm>>) target(%arg6 : memref<80x128xi32, #tpu.memory_space<vmem>>) target_semaphore(%run_scoped3A : memref<!tpu.dma_semaphore, #tpu.memory_space<semaphore_mem>>)
      %dma_wait3A = arith.constant 0 : i32
      %dma_wait3A_18 = tpu.memref_slice %arg3[%mul3A_0, %dma_wait3A] : memref<1280x128xi32, #tpu.memory_space<hbm>> -> memref<80x128xi32, #tpu.memory_space<hbm>>
      %dma_wait3A_19 = arith.constant 0 : i32
      %dma_wait3A_20 = tpu.memref_slice %arg3[%mul3A_0, %dma_wait3A_19] : memref<1280x128xi32, #tpu.memory_space<hbm>> -> memref<80x128xi32, #tpu.memory_space<hbm>>
      tpu.wait_dma2 semaphore(%run_scoped3A : memref<!tpu.dma_semaphore, #tpu.memory_space<semaphore_mem>>) src(%dma_wait3A_20 : memref<80x128xi32, #tpu.memory_space<hbm>>) dst(%arg6 : memref<80x128xi32, #tpu.memory_space<vmem>>)
      tpu.yield
    }) : () -> ()
    "tpu.region"() ({
      %run_scoped3A = tpu.sem_alloc : memref<!tpu.dma_semaphore, #tpu.memory_space<semaphore_mem>>
      %dma_start3A = arith.constant 0 : i32
      %dma_start3A_15 = tpu.memref_slice %arg4[%mul3A_0, %dma_start3A] : memref<1280x128xi32, #tpu.memory_space<hbm>> -> memref<80x128xi32, #tpu.memory_space<hbm>>
      %dma_start3A_16 = arith.constant 0 : i32
      %dma_start3A_17 = tpu.memref_slice %arg4[%mul3A_0, %dma_start3A_16] : memref<1280x128xi32, #tpu.memory_space<hbm>> -> memref<80x128xi32, #tpu.memory_space<hbm>>
      tpu.enqueue_dma source(%dma_start3A_17 : memref<80x128xi32, #tpu.memory_space<hbm>>) target(%arg7 : memref<80x128xi32, #tpu.memory_space<vmem>>) target_semaphore(%run_scoped3A : memref<!tpu.dma_semaphore, #tpu.memory_space<semaphore_mem>>)
      %dma_wait3A = arith.constant 0 : i32
      %dma_wait3A_18 = tpu.memref_slice %arg4[%mul3A_0, %dma_wait3A] : memref<1280x128xi32, #tpu.memory_space<hbm>> -> memref<80x128xi32, #tpu.memory_space<hbm>>
      %dma_wait3A_19 = arith.constant 0 : i32
      %dma_wait3A_20 = tpu.memref_slice %arg4[%mul3A_0, %dma_wait3A_19] : memref<1280x128xi32, #tpu.memory_space<hbm>> -> memref<80x128xi32, #tpu.memory_space<hbm>>
      tpu.wait_dma2 semaphore(%run_scoped3A : memref<!tpu.dma_semaphore, #tpu.memory_space<semaphore_mem>>) src(%dma_wait3A_20 : memref<80x128xi32, #tpu.memory_space<hbm>>) dst(%arg7 : memref<80x128xi32, #tpu.memory_space<vmem>>)
      tpu.yield
    }) : () -> ()
    %barrier3A = arith.constant 0 : index
    tpu.barrier barrier_id(%barrier3A)
    %scan3A = arith.constant 0 : i32
    %scan3A_5 = arith.constant 0 : i32
    %scan3A_6 = arith.constant 80 : i32
    %scan3A_7 = arith.addi %scan3A_5, %scan3A_6 : i32
    %scan3A_8 = arith.constant 1 : i32
    scf.for %scan3A_15 = %scan3A_5 to %scan3A_7 step %scan3A_8  : i32 {
      %dma_start3A = arith.constant 0 : i32
      %dma_start3A_16 = tpu.memref_slice %arg6[%scan3A_15, %dma_start3A] : memref<80x128xi32, #tpu.memory_space<vmem>> -> memref<1x128xi32, #tpu.memory_space<vmem>>
      %dma_start3A_17 = tpu.memref_squeeze %dma_start3A_16 : memref<1x128xi32, #tpu.memory_space<vmem>> -> memref<128xi32, #tpu.memory_space<vmem>>
      %dma_start3A_18 = arith.constant 0 : i32
      %dma_start3A_19 = arith.constant 0 : i32
      %dma_start3A_20 = tpu.memref_slice %arg2[%arg0, %dma_start3A_18, %dma_start3A_19] : memref<2x10240x128xf32, #tpu.memory_space<hbm>> -> memref<1x10240x128xf32, #tpu.memory_space<hbm>>
      %dma_start3A_21 = tpu.memref_squeeze %dma_start3A_20 : memref<1x10240x128xf32, #tpu.memory_space<hbm>> -> memref<10240x128xf32, #tpu.memory_space<hbm>>
      %dma_start3A_22 = arith.constant 0 : i32
      %dma_start3A_23 = arith.constant 0 : i32
      %dma_start3A_24 = tpu.memref_slice %dma_start3A_21[%dma_start3A_22, %dma_start3A_23] : memref<10240x128xf32, #tpu.memory_space<hbm>> -> memref<10240x128xf32, #tpu.memory_space<hbm>>
      tpu.enqueue_indirect_dma source(%dma_start3A_24 : memref<10240x128xf32, #tpu.memory_space<hbm>>) target(%arg8 : memref<128x128xf32, #tpu.memory_space<vmem>>) offsets(%dma_start3A_17 : memref<128xi32, #tpu.memory_space<vmem>>) semaphore(%arg10 : memref<!tpu.dma_semaphore, #tpu.memory_space<semaphore_mem>>)
      %dma_wait3A = arith.constant 0 : i32
      %dma_wait3A_25 = tpu.memref_slice %arg6[%scan3A_15, %dma_wait3A] : memref<80x128xi32, #tpu.memory_space<vmem>> -> memref<1x128xi32, #tpu.memory_space<vmem>>
      %dma_wait3A_26 = tpu.memref_squeeze %dma_wait3A_25 : memref<1x128xi32, #tpu.memory_space<vmem>> -> memref<128xi32, #tpu.memory_space<vmem>>
      %dma_wait3A_27 = arith.constant 0 : i32
      %dma_wait3A_28 = arith.constant 0 : i32
      %dma_wait3A_29 = tpu.memref_slice %arg2[%arg0, %dma_wait3A_27, %dma_wait3A_28] : memref<2x10240x128xf32, #tpu.memory_space<hbm>> -> memref<1x10240x128xf32, #tpu.memory_space<hbm>>
      %dma_wait3A_30 = tpu.memref_squeeze %dma_wait3A_29 : memref<1x10240x128xf32, #tpu.memory_space<hbm>> -> memref<10240x128xf32, #tpu.memory_space<hbm>>
      %dma_wait3A_31 = arith.constant 0 : i32
      %dma_wait3A_32 = arith.constant 0 : i32
      %dma_wait3A_33 = tpu.memref_slice %dma_wait3A_30[%dma_wait3A_31, %dma_wait3A_32] : memref<10240x128xf32, #tpu.memory_space<hbm>> -> memref<10240x128xf32, #tpu.memory_space<hbm>>
      tpu.wait_indirect_dma semaphore(%arg10 : memref<!tpu.dma_semaphore, #tpu.memory_space<semaphore_mem>>) src(%dma_wait3A_33 : memref<10240x128xf32, #tpu.memory_space<hbm>>) dst(%arg8 : memref<128x128xf32, #tpu.memory_space<vmem>>)
      "tpu.region"() ({
        %run_scoped3A = tpu.sem_alloc : memref<!tpu.dma_semaphore, #tpu.memory_space<semaphore_mem>>
        %dma_start3A_34 = arith.constant 0 : i32
        %dma_start3A_35 = tpu.memref_slice %arg7[%scan3A_15, %dma_start3A_34] : memref<80x128xi32, #tpu.memory_space<vmem>> -> memref<1x128xi32, #tpu.memory_space<vmem>>
        %dma_start3A_36 = tpu.memref_squeeze %dma_start3A_35 : memref<1x128xi32, #tpu.memory_space<vmem>> -> memref<128xi32, #tpu.memory_space<vmem>>
        %dma_start3A_37 = arith.constant 0 : i32
        %dma_start3A_38 = arith.constant 0 : i32
        %dma_start3A_39 = tpu.memref_slice %arg9[%dma_start3A_37, %dma_start3A_38] : memref<10240x128xf32, #tpu.memory_space<vmem_shared>> -> memref<10240x128xf32, #tpu.memory_space<vmem_shared>>
        tpu.enqueue_indirect_dma source(%arg8 : memref<128x128xf32, #tpu.memory_space<vmem>>) target(%dma_start3A_39 : memref<10240x128xf32, #tpu.memory_space<vmem_shared>>) offsets(%dma_start3A_36 : memref<128xi32, #tpu.memory_space<vmem>>) semaphore(%run_scoped3A : memref<!tpu.dma_semaphore, #tpu.memory_space<semaphore_mem>>) {add = true}
        %dma_wait3A_40 = arith.constant 0 : i32
        %dma_wait3A_41 = tpu.memref_slice %arg7[%scan3A_15, %dma_wait3A_40] : memref<80x128xi32, #tpu.memory_space<vmem>> -> memref<1x128xi32, #tpu.memory_space<vmem>>
        %dma_wait3A_42 = tpu.memref_squeeze %dma_wait3A_41 : memref<1x128xi32, #tpu.memory_space<vmem>> -> memref<128xi32, #tpu.memory_space<vmem>>
        %dma_wait3A_43 = arith.constant 0 : i32
        %dma_wait3A_44 = arith.constant 0 : i32
        %dma_wait3A_45 = tpu.memref_slice %arg9[%dma_wait3A_43, %dma_wait3A_44] : memref<10240x128xf32, #tpu.memory_space<vmem_shared>> -> memref<10240x128xf32, #tpu.memory_space<vmem_shared>>
        tpu.wait_indirect_dma semaphore(%run_scoped3A : memref<!tpu.dma_semaphore, #tpu.memory_space<semaphore_mem>>) src(%arg8 : memref<128x128xf32, #tpu.memory_space<vmem>>) dst(%dma_wait3A_45 : memref<10240x128xf32, #tpu.memory_space<vmem_shared>>)
        tpu.yield
      }) : () -> ()
    }
    %scan3A_9 = arith.constant 80 : i32
    %barrier3A_10 = arith.constant 0 : index
    tpu.barrier barrier_id(%barrier3A_10)
    %mul3A_11 = arith.constant 640 : i32
    %mul3A_12 = arith.muli %arg1, %mul3A_11 : i32
    %mul3A_13 = arith.constant 640 : i32
    %mul3A_14 = arith.muli %arg1, %mul3A_13 : i32
    "tpu.region"() ({
      %run_scoped3A = tpu.sem_alloc : memref<!tpu.dma_semaphore, #tpu.memory_space<semaphore_mem>>
      %dma_start3A = arith.constant 0 : i32
      %dma_start3A_15 = arith.constant 0 : i32
      %dma_start3A_16 = tpu.memref_slice %arg5[%arg0, %dma_start3A, %dma_start3A_15] : memref<2x10240x128xf32, #tpu.memory_space<hbm>> -> memref<1x10240x128xf32, #tpu.memory_space<hbm>>
      %dma_start3A_17 = tpu.memref_squeeze %dma_start3A_16 : memref<1x10240x128xf32, #tpu.memory_space<hbm>> -> memref<10240x128xf32, #tpu.memory_space<hbm>>
      %dma_start3A_18 = arith.constant 0 : i32
      %dma_start3A_19 = tpu.memref_slice %dma_start3A_17[%mul3A_14, %dma_start3A_18] : memref<10240x128xf32, #tpu.memory_space<hbm>> -> memref<640x128xf32, #tpu.memory_space<hbm>>
      %dma_start3A_20 = arith.constant 0 : i32
      %dma_start3A_21 = tpu.memref_slice %arg9[%mul3A_12, %dma_start3A_20] : memref<10240x128xf32, #tpu.memory_space<vmem_shared>> -> memref<640x128xf32, #tpu.memory_space<vmem_shared>>
      tpu.enqueue_dma source(%dma_start3A_21 : memref<640x128xf32, #tpu.memory_space<vmem_shared>>) target(%dma_start3A_19 : memref<640x128xf32, #tpu.memory_space<hbm>>) target_semaphore(%run_scoped3A : memref<!tpu.dma_semaphore, #tpu.memory_space<semaphore_mem>>)
      %dma_wait3A = arith.constant 0 : i32
      %dma_wait3A_22 = arith.constant 0 : i32
      %dma_wait3A_23 = tpu.memref_slice %arg5[%arg0, %dma_wait3A, %dma_wait3A_22] : memref<2x10240x128xf32, #tpu.memory_space<hbm>> -> memref<1x10240x128xf32, #tpu.memory_space<hbm>>
      %dma_wait3A_24 = tpu.memref_squeeze %dma_wait3A_23 : memref<1x10240x128xf32, #tpu.memory_space<hbm>> -> memref<10240x128xf32, #tpu.memory_space<hbm>>
      %dma_wait3A_25 = arith.constant 0 : i32
      %dma_wait3A_26 = tpu.memref_slice %dma_wait3A_24[%mul3A_14, %dma_wait3A_25] : memref<10240x128xf32, #tpu.memory_space<hbm>> -> memref<640x128xf32, #tpu.memory_space<hbm>>
      %dma_wait3A_27 = arith.constant 0 : i32
      %dma_wait3A_28 = tpu.memref_slice %arg9[%mul3A_12, %dma_wait3A_27] : memref<10240x128xf32, #tpu.memory_space<vmem_shared>> -> memref<640x128xf32, #tpu.memory_space<vmem_shared>>
      tpu.wait_dma2 semaphore(%run_scoped3A : memref<!tpu.dma_semaphore, #tpu.memory_space<semaphore_mem>>) src(%dma_wait3A_28 : memref<640x128xf32, #tpu.memory_space<vmem_shared>>) dst(%dma_wait3A_26 : memref<640x128xf32, #tpu.memory_space<hbm>>)
      tpu.yield
    }) : () -> ()
    return
  }
}

#map = affine_map<(d0, d1) -> (0, 0, 0)>
#map1 = affine_map<(d0, d1) -> (0, 0)>
module attributes {stable_mosaic.version = 14 : i64} {
  func.func @_sc_agg(%arg0: i32, %arg1: i32, %arg2: memref<2x10240x128xf32, #tpu.memory_space<hbm>>, %arg3: memref<1280x128xi32, #tpu.memory_space<hbm>>, %arg4: memref<1280x128xi32, #tpu.memory_space<hbm>>, %arg5: memref<2x10240x128xf32, #tpu.memory_space<hbm>>, %arg6: memref<80x128xi32, #tpu.memory_space<vmem>>, %arg7: memref<80x128xi32, #tpu.memory_space<vmem>>, %arg8: memref<128x128xf32, #tpu.memory_space<vmem>>, %arg9: memref<10240x128xf32, #tpu.memory_space<vmem_shared>>, %arg10: memref<!tpu.dma_semaphore, #tpu.memory_space<semaphore_mem>>) attributes {dimension_semantics = [#tpu.dimension_semantics<core_parallel>, #tpu.dimension_semantics<subcore_parallel>], iteration_bounds = array<i64: 2, 16>, scalar_prefetch = 0 : i64, scratch_operands = 5 : i64, tpu.core_type = #tpu.core_type<sc_vector_subcore>, window_params = [{transform_indices = #map}, {transform_indices = #map1}, {transform_indices = #map1}, {transform_indices = #map}]} {
    %mul3A = arith.constant 80 : i32
    %mul3A_0 = arith.muli %arg1, %mul3A : i32
    %mul3A_1 = arith.constant 640 : i32
    %mul3A_2 = arith.muli %arg1, %mul3A_1 : i32
    %mul3A_3 = arith.constant 640 : i32
    %mul3A_4 = arith.muli %arg1, %mul3A_3 : i32
    "tpu.region"() ({
      %run_scoped3A = tpu.sem_alloc : memref<!tpu.dma_semaphore, #tpu.memory_space<semaphore_mem>>
      %dma_start3A = arith.constant 0 : i32
      %dma_start3A_15 = tpu.memref_slice %arg9[%mul3A_4, %dma_start3A] : memref<10240x128xf32, #tpu.memory_space<vmem_shared>> -> memref<640x128xf32, #tpu.memory_space<vmem_shared>>
      %dma_start3A_16 = arith.constant 0 : i32
      %dma_start3A_17 = arith.constant 0 : i32
      %dma_start3A_18 = tpu.memref_slice %arg2[%arg0, %dma_start3A_16, %dma_start3A_17] : memref<2x10240x128xf32, #tpu.memory_space<hbm>> -> memref<1x10240x128xf32, #tpu.memory_space<hbm>>
      %dma_start3A_19 = tpu.memref_squeeze %dma_start3A_18 : memref<1x10240x128xf32, #tpu.memory_space<hbm>> -> memref<10240x128xf32, #tpu.memory_space<hbm>>
      %dma_start3A_20 = arith.constant 0 : i32
      %dma_start3A_21 = tpu.memref_slice %dma_start3A_19[%mul3A_2, %dma_start3A_20] : memref<10240x128xf32, #tpu.memory_space<hbm>> -> memref<640x128xf32, #tpu.memory_space<hbm>>
      tpu.enqueue_dma source(%dma_start3A_21 : memref<640x128xf32, #tpu.memory_space<hbm>>) target(%dma_start3A_15 : memref<640x128xf32, #tpu.memory_space<vmem_shared>>) target_semaphore(%run_scoped3A : memref<!tpu.dma_semaphore, #tpu.memory_space<semaphore_mem>>)
      %dma_wait3A = arith.constant 0 : i32
      %dma_wait3A_22 = tpu.memref_slice %arg9[%mul3A_4, %dma_wait3A] : memref<10240x128xf32, #tpu.memory_space<vmem_shared>> -> memref<640x128xf32, #tpu.memory_space<vmem_shared>>
      %dma_wait3A_23 = arith.constant 0 : i32
      %dma_wait3A_24 = arith.constant 0 : i32
      %dma_wait3A_25 = tpu.memref_slice %arg2[%arg0, %dma_wait3A_23, %dma_wait3A_24] : memref<2x10240x128xf32, #tpu.memory_space<hbm>> -> memref<1x10240x128xf32, #tpu.memory_space<hbm>>
      %dma_wait3A_26 = tpu.memref_squeeze %dma_wait3A_25 : memref<1x10240x128xf32, #tpu.memory_space<hbm>> -> memref<10240x128xf32, #tpu.memory_space<hbm>>
      %dma_wait3A_27 = arith.constant 0 : i32
      %dma_wait3A_28 = tpu.memref_slice %dma_wait3A_26[%mul3A_2, %dma_wait3A_27] : memref<10240x128xf32, #tpu.memory_space<hbm>> -> memref<640x128xf32, #tpu.memory_space<hbm>>
      tpu.wait_dma2 semaphore(%run_scoped3A : memref<!tpu.dma_semaphore, #tpu.memory_space<semaphore_mem>>) src(%dma_wait3A_28 : memref<640x128xf32, #tpu.memory_space<hbm>>) dst(%dma_wait3A_22 : memref<640x128xf32, #tpu.memory_space<vmem_shared>>)
      tpu.yield
    }) : () -> ()
    "tpu.region"() ({
      %run_scoped3A = tpu.sem_alloc : memref<!tpu.dma_semaphore, #tpu.memory_space<semaphore_mem>>
      %dma_start3A = arith.constant 0 : i32
      %dma_start3A_15 = tpu.memref_slice %arg3[%mul3A_0, %dma_start3A] : memref<1280x128xi32, #tpu.memory_space<hbm>> -> memref<80x128xi32, #tpu.memory_space<hbm>>
      %dma_start3A_16 = arith.constant 0 : i32
      %dma_start3A_17 = tpu.memref_slice %arg3[%mul3A_0, %dma_start3A_16] : memref<1280x128xi32, #tpu.memory_space<hbm>> -> memref<80x128xi32, #tpu.memory_space<hbm>>
      tpu.enqueue_dma source(%dma_start3A_17 : memref<80x128xi32, #tpu.memory_space<hbm>>) target(%arg6 : memref<80x128xi32, #tpu.memory_space<vmem>>) target_semaphore(%run_scoped3A : memref<!tpu.dma_semaphore, #tpu.memory_space<semaphore_mem>>)
      %dma_wait3A = arith.constant 0 : i32
      %dma_wait3A_18 = tpu.memref_slice %arg3[%mul3A_0, %dma_wait3A] : memref<1280x128xi32, #tpu.memory_space<hbm>> -> memref<80x128xi32, #tpu.memory_space<hbm>>
      %dma_wait3A_19 = arith.constant 0 : i32
      %dma_wait3A_20 = tpu.memref_slice %arg3[%mul3A_0, %dma_wait3A_19] : memref<1280x128xi32, #tpu.memory_space<hbm>> -> memref<80x128xi32, #tpu.memory_space<hbm>>
      tpu.wait_dma2 semaphore(%run_scoped3A : memref<!tpu.dma_semaphore, #tpu.memory_space<semaphore_mem>>) src(%dma_wait3A_20 : memref<80x128xi32, #tpu.memory_space<hbm>>) dst(%arg6 : memref<80x128xi32, #tpu.memory_space<vmem>>)
      tpu.yield
    }) : () -> ()
    "tpu.region"() ({
      %run_scoped3A = tpu.sem_alloc : memref<!tpu.dma_semaphore, #tpu.memory_space<semaphore_mem>>
      %dma_start3A = arith.constant 0 : i32
      %dma_start3A_15 = tpu.memref_slice %arg4[%mul3A_0, %dma_start3A] : memref<1280x128xi32, #tpu.memory_space<hbm>> -> memref<80x128xi32, #tpu.memory_space<hbm>>
      %dma_start3A_16 = arith.constant 0 : i32
      %dma_start3A_17 = tpu.memref_slice %arg4[%mul3A_0, %dma_start3A_16] : memref<1280x128xi32, #tpu.memory_space<hbm>> -> memref<80x128xi32, #tpu.memory_space<hbm>>
      tpu.enqueue_dma source(%dma_start3A_17 : memref<80x128xi32, #tpu.memory_space<hbm>>) target(%arg7 : memref<80x128xi32, #tpu.memory_space<vmem>>) target_semaphore(%run_scoped3A : memref<!tpu.dma_semaphore, #tpu.memory_space<semaphore_mem>>)
      %dma_wait3A = arith.constant 0 : i32
      %dma_wait3A_18 = tpu.memref_slice %arg4[%mul3A_0, %dma_wait3A] : memref<1280x128xi32, #tpu.memory_space<hbm>> -> memref<80x128xi32, #tpu.memory_space<hbm>>
      %dma_wait3A_19 = arith.constant 0 : i32
      %dma_wait3A_20 = tpu.memref_slice %arg4[%mul3A_0, %dma_wait3A_19] : memref<1280x128xi32, #tpu.memory_space<hbm>> -> memref<80x128xi32, #tpu.memory_space<hbm>>
      tpu.wait_dma2 semaphore(%run_scoped3A : memref<!tpu.dma_semaphore, #tpu.memory_space<semaphore_mem>>) src(%dma_wait3A_20 : memref<80x128xi32, #tpu.memory_space<hbm>>) dst(%arg7 : memref<80x128xi32, #tpu.memory_space<vmem>>)
      tpu.yield
    }) : () -> ()
    %barrier3A = arith.constant 0 : index
    tpu.barrier barrier_id(%barrier3A)
    %scan3A = arith.constant 0 : i32
    %scan3A_5 = arith.constant 0 : i32
    %scan3A_6 = arith.constant 80 : i32
    %scan3A_7 = arith.addi %scan3A_5, %scan3A_6 : i32
    %scan3A_8 = arith.constant 1 : i32
    scf.for %scan3A_15 = %scan3A_5 to %scan3A_7 step %scan3A_8  : i32 {
      %dma_start3A = arith.constant 0 : i32
      %dma_start3A_16 = tpu.memref_slice %arg6[%scan3A_15, %dma_start3A] : memref<80x128xi32, #tpu.memory_space<vmem>> -> memref<1x128xi32, #tpu.memory_space<vmem>>
      %dma_start3A_17 = tpu.memref_squeeze %dma_start3A_16 : memref<1x128xi32, #tpu.memory_space<vmem>> -> memref<128xi32, #tpu.memory_space<vmem>>
      %dma_start3A_18 = arith.constant 0 : i32
      %dma_start3A_19 = arith.constant 0 : i32
      %dma_start3A_20 = tpu.memref_slice %arg2[%arg0, %dma_start3A_18, %dma_start3A_19] : memref<2x10240x128xf32, #tpu.memory_space<hbm>> -> memref<1x10240x128xf32, #tpu.memory_space<hbm>>
      %dma_start3A_21 = tpu.memref_squeeze %dma_start3A_20 : memref<1x10240x128xf32, #tpu.memory_space<hbm>> -> memref<10240x128xf32, #tpu.memory_space<hbm>>
      %dma_start3A_22 = arith.constant 0 : i32
      %dma_start3A_23 = arith.constant 0 : i32
      %dma_start3A_24 = tpu.memref_slice %dma_start3A_21[%dma_start3A_22, %dma_start3A_23] : memref<10240x128xf32, #tpu.memory_space<hbm>> -> memref<10240x128xf32, #tpu.memory_space<hbm>>
      tpu.enqueue_indirect_dma source(%dma_start3A_24 : memref<10240x128xf32, #tpu.memory_space<hbm>>) target(%arg8 : memref<128x128xf32, #tpu.memory_space<vmem>>) offsets(%dma_start3A_17 : memref<128xi32, #tpu.memory_space<vmem>>) semaphore(%arg10 : memref<!tpu.dma_semaphore, #tpu.memory_space<semaphore_mem>>)
      %dma_wait3A = arith.constant 0 : i32
      %dma_wait3A_25 = tpu.memref_slice %arg6[%scan3A_15, %dma_wait3A] : memref<80x128xi32, #tpu.memory_space<vmem>> -> memref<1x128xi32, #tpu.memory_space<vmem>>
      %dma_wait3A_26 = tpu.memref_squeeze %dma_wait3A_25 : memref<1x128xi32, #tpu.memory_space<vmem>> -> memref<128xi32, #tpu.memory_space<vmem>>
      %dma_wait3A_27 = arith.constant 0 : i32
      %dma_wait3A_28 = arith.constant 0 : i32
      %dma_wait3A_29 = tpu.memref_slice %arg2[%arg0, %dma_wait3A_27, %dma_wait3A_28] : memref<2x10240x128xf32, #tpu.memory_space<hbm>> -> memref<1x10240x128xf32, #tpu.memory_space<hbm>>
      %dma_wait3A_30 = tpu.memref_squeeze %dma_wait3A_29 : memref<1x10240x128xf32, #tpu.memory_space<hbm>> -> memref<10240x128xf32, #tpu.memory_space<hbm>>
      %dma_wait3A_31 = arith.constant 0 : i32
      %dma_wait3A_32 = arith.constant 0 : i32
      %dma_wait3A_33 = tpu.memref_slice %dma_wait3A_30[%dma_wait3A_31, %dma_wait3A_32] : memref<10240x128xf32, #tpu.memory_space<hbm>> -> memref<10240x128xf32, #tpu.memory_space<hbm>>
      tpu.wait_indirect_dma semaphore(%arg10 : memref<!tpu.dma_semaphore, #tpu.memory_space<semaphore_mem>>) src(%dma_wait3A_33 : memref<10240x128xf32, #tpu.memory_space<hbm>>) dst(%arg8 : memref<128x128xf32, #tpu.memory_space<vmem>>)
      "tpu.region"() ({
        %run_scoped3A = tpu.sem_alloc : memref<!tpu.dma_semaphore, #tpu.memory_space<semaphore_mem>>
        %dma_start3A_34 = arith.constant 0 : i32
        %dma_start3A_35 = tpu.memref_slice %arg7[%scan3A_15, %dma_start3A_34] : memref<80x128xi32, #tpu.memory_space<vmem>> -> memref<1x128xi32, #tpu.memory_space<vmem>>
        %dma_start3A_36 = tpu.memref_squeeze %dma_start3A_35 : memref<1x128xi32, #tpu.memory_space<vmem>> -> memref<128xi32, #tpu.memory_space<vmem>>
        %dma_start3A_37 = arith.constant 0 : i32
        %dma_start3A_38 = arith.constant 0 : i32
        %dma_start3A_39 = tpu.memref_slice %arg9[%dma_start3A_37, %dma_start3A_38] : memref<10240x128xf32, #tpu.memory_space<vmem_shared>> -> memref<10240x128xf32, #tpu.memory_space<vmem_shared>>
        tpu.enqueue_indirect_dma source(%arg8 : memref<128x128xf32, #tpu.memory_space<vmem>>) target(%dma_start3A_39 : memref<10240x128xf32, #tpu.memory_space<vmem_shared>>) offsets(%dma_start3A_36 : memref<128xi32, #tpu.memory_space<vmem>>) semaphore(%run_scoped3A : memref<!tpu.dma_semaphore, #tpu.memory_space<semaphore_mem>>) {add = true}
        %dma_wait3A_40 = arith.constant 0 : i32
        %dma_wait3A_41 = tpu.memref_slice %arg7[%scan3A_15, %dma_wait3A_40] : memref<80x128xi32, #tpu.memory_space<vmem>> -> memref<1x128xi32, #tpu.memory_space<vmem>>
        %dma_wait3A_42 = tpu.memref_squeeze %dma_wait3A_41 : memref<1x128xi32, #tpu.memory_space<vmem>> -> memref<128xi32, #tpu.memory_space<vmem>>
        %dma_wait3A_43 = arith.constant 0 : i32
        %dma_wait3A_44 = arith.constant 0 : i32
        %dma_wait3A_45 = tpu.memref_slice %arg9[%dma_wait3A_43, %dma_wait3A_44] : memref<10240x128xf32, #tpu.memory_space<vmem_shared>> -> memref<10240x128xf32, #tpu.memory_space<vmem_shared>>
        tpu.wait_indirect_dma semaphore(%run_scoped3A : memref<!tpu.dma_semaphore, #tpu.memory_space<semaphore_mem>>) src(%arg8 : memref<128x128xf32, #tpu.memory_space<vmem>>) dst(%dma_wait3A_45 : memref<10240x128xf32, #tpu.memory_space<vmem_shared>>)
        tpu.yield
      }) : () -> ()
    }
    %scan3A_9 = arith.constant 80 : i32
    %barrier3A_10 = arith.constant 0 : index
    tpu.barrier barrier_id(%barrier3A_10)
    %mul3A_11 = arith.constant 640 : i32
    %mul3A_12 = arith.muli %arg1, %mul3A_11 : i32
    %mul3A_13 = arith.constant 640 : i32
    %mul3A_14 = arith.muli %arg1, %mul3A_13 : i32
    "tpu.region"() ({
      %run_scoped3A = tpu.sem_alloc : memref<!tpu.dma_semaphore, #tpu.memory_space<semaphore_mem>>
      %dma_start3A = arith.constant 0 : i32
      %dma_start3A_15 = arith.constant 0 : i32
      %dma_start3A_16 = tpu.memref_slice %arg5[%arg0, %dma_start3A, %dma_start3A_15] : memref<2x10240x128xf32, #tpu.memory_space<hbm>> -> memref<1x10240x128xf32, #tpu.memory_space<hbm>>
      %dma_start3A_17 = tpu.memref_squeeze %dma_start3A_16 : memref<1x10240x128xf32, #tpu.memory_space<hbm>> -> memref<10240x128xf32, #tpu.memory_space<hbm>>
      %dma_start3A_18 = arith.constant 0 : i32
      %dma_start3A_19 = tpu.memref_slice %dma_start3A_17[%mul3A_14, %dma_start3A_18] : memref<10240x128xf32, #tpu.memory_space<hbm>> -> memref<640x128xf32, #tpu.memory_space<hbm>>
      %dma_start3A_20 = arith.constant 0 : i32
      %dma_start3A_21 = tpu.memref_slice %arg9[%mul3A_12, %dma_start3A_20] : memref<10240x128xf32, #tpu.memory_space<vmem_shared>> -> memref<640x128xf32, #tpu.memory_space<vmem_shared>>
      tpu.enqueue_dma source(%dma_start3A_21 : memref<640x128xf32, #tpu.memory_space<vmem_shared>>) target(%dma_start3A_19 : memref<640x128xf32, #tpu.memory_space<hbm>>) target_semaphore(%run_scoped3A : memref<!tpu.dma_semaphore, #tpu.memory_space<semaphore_mem>>)
      %dma_wait3A = arith.constant 0 : i32
      %dma_wait3A_22 = arith.constant 0 : i32
      %dma_wait3A_23 = tpu.memref_slice %arg5[%arg0, %dma_wait3A, %dma_wait3A_22] : memref<2x10240x128xf32, #tpu.memory_space<hbm>> -> memref<1x10240x128xf32, #tpu.memory_space<hbm>>
      %dma_wait3A_24 = tpu.memref_squeeze %dma_wait3A_23 : memref<1x10240x128xf32, #tpu.memory_space<hbm>> -> memref<10240x128xf32, #tpu.memory_space<hbm>>
      %dma_wait3A_25 = arith.constant 0 : i32
      %dma_wait3A_26 = tpu.memref_slice %dma_wait3A_24[%mul3A_14, %dma_wait3A_25] : memref<10240x128xf32, #tpu.memory_space<hbm>> -> memref<640x128xf32, #tpu.memory_space<hbm>>
      %dma_wait3A_27 = arith.constant 0 : i32
      %dma_wait3A_28 = tpu.memref_slice %arg9[%mul3A_12, %dma_wait3A_27] : memref<10240x128xf32, #tpu.memory_space<vmem_shared>> -> memref<640x128xf32, #tpu.memory_space<vmem_shared>>
      tpu.wait_dma2 semaphore(%run_scoped3A : memref<!tpu.dma_semaphore, #tpu.memory_space<semaphore_mem>>) src(%dma_wait3A_28 : memref<640x128xf32, #tpu.memory_space<vmem_shared>>) dst(%dma_wait3A_26 : memref<640x128xf32, #tpu.memory_space<hbm>>)
      tpu.yield
    }) : () -> ()
    return
  }
}

module attributes {stable_mosaic.version = 14 : i64} {
  func.func @_stats1_body(%arg0: i32, %arg1: memref<400x256xf32, #tpu.memory_space<vmem>>, %arg2: memref<1x256xf32, #tpu.memory_space<vmem>>, %arg3: memref<1x256xf32, #tpu.memory_space<vmem>>) attributes {dimension_semantics = [#tpu.dimension_semantics<arbitrary>], iteration_bounds = array<i64: 25>, scalar_prefetch = 0 : i64, scratch_operands = 0 : i64, tpu.core_type = #tpu.core_type<tc>, window_params = [{transform_indices = @transform_0, window_bounds = array<i64: 400, 256>}, {pipeline_mode = #tpu.pipeline_mode<synchronous>, transform_indices = @transform_1, window_bounds = array<i64: 1, 256>}, {pipeline_mode = #tpu.pipeline_mode<synchronous>, transform_indices = @transform_2, window_bounds = array<i64: 1, 256>}]} {
    %eq3A = arith.constant 0 : i32
    %eq3A_0 = arith.cmpi eq, %arg0, %eq3A : i32
    %convert_element_type3A = arith.extui %eq3A_0 : i1 to i32
    %cond3A = arith.constant 0 : i32
    %cond3A_1 = arith.cmpi ne, %convert_element_type3A, %cond3A : i32
    scf.if %cond3A_1 {
      %broadcast_in_dim3A_20 = arith.constant 0.000000e+00 : f32
      %broadcast_in_dim3A_21 = vector.broadcast %broadcast_in_dim3A_20 : f32 to vector<1x256xf32>
      %swap3A_22 = arith.constant 0 : index
      %swap3A_23 = arith.constant 0 : index
      %swap3A_24 = vector.load %arg2[%swap3A_22, %swap3A_23] : memref<1x256xf32, #tpu.memory_space<vmem>>, vector<1x256xf32>
      tpu.vector_store %arg2[%swap3A_22, %swap3A_23], %broadcast_in_dim3A_21 {strides = array<i32>} : memref<1x256xf32, #tpu.memory_space<vmem>>, vector<1x256xf32>,
      %broadcast_in_dim3A_25 = arith.constant 0.000000e+00 : f32
      %broadcast_in_dim3A_26 = vector.broadcast %broadcast_in_dim3A_25 : f32 to vector<1x256xf32>
      %swap3A_27 = arith.constant 0 : index
      %swap3A_28 = arith.constant 0 : index
      %swap3A_29 = vector.load %arg3[%swap3A_27, %swap3A_28] : memref<1x256xf32, #tpu.memory_space<vmem>>, vector<1x256xf32>
      tpu.vector_store %arg3[%swap3A_27, %swap3A_28], %broadcast_in_dim3A_26 {strides = array<i32>} : memref<1x256xf32, #tpu.memory_space<vmem>>, vector<1x256xf32>,
    } else {
    }
    %get3A = arith.constant 0 : index
    %get3A_2 = arith.constant 0 : index
    %get3A_3 = vector.load %arg1[%get3A, %get3A_2] : memref<400x256xf32, #tpu.memory_space<vmem>>, vector<400x256xf32>
    %get3A_4 = arith.constant 0 : index
    %get3A_5 = arith.constant 0 : index
    %get3A_6 = vector.load %arg2[%get3A_4, %get3A_5] : memref<1x256xf32, #tpu.memory_space<vmem>>, vector<1x256xf32>
    %reduce_sum3A = arith.constant dense<0.000000e+00> : vector<256xf32>
    %reduce_sum3A_7 = vector.multi_reduction <add>, %get3A_3, %reduce_sum3A [0] : vector<400x256xf32> to vector<256xf32>
    %broadcast_in_dim3A = vector.shape_cast %reduce_sum3A_7 : vector<256xf32> to vector<1x256xf32>
    %add3A = arith.addf %get3A_6, %broadcast_in_dim3A : vector<1x256xf32>
    %swap3A = arith.constant 0 : index
    %swap3A_8 = arith.constant 0 : index
    %swap3A_9 = vector.load %arg2[%swap3A, %swap3A_8] : memref<1x256xf32, #tpu.memory_space<vmem>>, vector<1x256xf32>
    tpu.vector_store %arg2[%swap3A, %swap3A_8], %add3A {strides = array<i32>} : memref<1x256xf32, #tpu.memory_space<vmem>>, vector<1x256xf32>,
    %get3A_10 = arith.constant 0 : index
    %get3A_11 = arith.constant 0 : index
    %get3A_12 = vector.load %arg3[%get3A_10, %get3A_11] : memref<1x256xf32, #tpu.memory_space<vmem>>, vector<1x256xf32>
    %mul3A = arith.mulf %get3A_3, %get3A_3 : vector<400x256xf32>
    %reduce_sum3A_13 = arith.constant dense<0.000000e+00> : vector<256xf32>
    %reduce_sum3A_14 = vector.multi_reduction <add>, %mul3A, %reduce_sum3A_13 [0] : vector<400x256xf32> to vector<256xf32>
    %broadcast_in_dim3A_15 = vector.shape_cast %reduce_sum3A_14 : vector<256xf32> to vector<1x256xf32>
    %add3A_16 = arith.addf %get3A_12, %broadcast_in_dim3A_15 : vector<1x256xf32>
    %swap3A_17 = arith.constant 0 : index
    %swap3A_18 = arith.constant 0 : index
    %swap3A_19 = vector.load %arg3[%swap3A_17, %swap3A_18] : memref<1x256xf32, #tpu.memory_space<vmem>>, vector<1x256xf32>
    tpu.vector_store %arg3[%swap3A_17, %swap3A_18], %add3A_16 {strides = array<i32>} : memref<1x256xf32, #tpu.memory_space<vmem>>, vector<1x256xf32>,
    return
  }
  func.func @transform_0(%arg0: i32) -> (i32, i32) {
    %c0_i32 = arith.constant 0 : i32
    %c0_i32_0 = arith.constant 0 : i32
    return %arg0, %c0_i32 : i32, i32
  }
  func.func @transform_1(%arg0: i32) -> (i32, i32) {
    %c0_i32 = arith.constant 0 : i32
    %c0_i32_0 = arith.constant 0 : i32
    %c0_i32_1 = arith.constant 0 : i32
    return %c0_i32, %c0_i32_0 : i32, i32
  }
  func.func @transform_2(%arg0: i32) -> (i32, i32) {
    %c0_i32 = arith.constant 0 : i32
    %c0_i32_0 = arith.constant 0 : i32
    %c0_i32_1 = arith.constant 0 : i32
    return %c0_i32, %c0_i32_0 : i32, i32
  }
}

module attributes {stable_mosaic.version = 14 : i64} {
  func.func @_apply1_body(%arg0: i32, %arg1: memref<400x256xf32, #tpu.memory_space<vmem>>, %arg2: memref<1x256xf32, #tpu.memory_space<vmem>>, %arg3: memref<1x256xf32, #tpu.memory_space<vmem>>, %arg4: memref<1x256xf32, #tpu.memory_space<vmem>>, %arg5: memref<1x256xf32, #tpu.memory_space<vmem>>, %arg6: memref<256x256xf32, #tpu.memory_space<vmem>>, %arg7: memref<2x400x16xf32, #tpu.memory_space<vmem>>, %arg8: memref<2x400x128xf32, #tpu.memory_space<vmem>>) attributes {dimension_semantics = [#tpu.dimension_semantics<arbitrary>], iteration_bounds = array<i64: 25>, scalar_prefetch = 0 : i64, scratch_operands = 0 : i64, tpu.core_type = #tpu.core_type<tc>, window_params = [{transform_indices = @transform_0, window_bounds = array<i64: 400, 256>}, {pipeline_mode = #tpu.pipeline_mode<synchronous>, transform_indices = @transform_1, window_bounds = array<i64: 1, 256>}, {pipeline_mode = #tpu.pipeline_mode<synchronous>, transform_indices = @transform_2, window_bounds = array<i64: 1, 256>}, {pipeline_mode = #tpu.pipeline_mode<synchronous>, transform_indices = @transform_3, window_bounds = array<i64: 1, 256>}, {pipeline_mode = #tpu.pipeline_mode<synchronous>, transform_indices = @transform_4, window_bounds = array<i64: 1, 256>}, {pipeline_mode = #tpu.pipeline_mode<synchronous>, transform_indices = @transform_5, window_bounds = array<i64: 256, 256>}, {transform_indices = @transform_6, window_bounds = array<i64: 2, 400, 16>}, {transform_indices = @transform_7, window_bounds = array<i64: 2, 400, 128>}]} {
    %get3A = arith.constant 0 : index
    %get3A_0 = arith.constant 0 : index
    %get3A_1 = vector.load %arg2[%get3A, %get3A_0] : memref<1x256xf32, #tpu.memory_space<vmem>>, vector<1x256xf32>
    %mul3A = arith.constant 9.99999974E-5 : f32
    %mul3A_2 = vector.broadcast %mul3A : f32 to vector<1x256xf32>
    %mul3A_3 = arith.mulf %get3A_1, %mul3A_2 : vector<1x256xf32>
    %get3A_4 = arith.constant 0 : index
    %get3A_5 = arith.constant 0 : index
    %get3A_6 = vector.load %arg3[%get3A_4, %get3A_5] : memref<1x256xf32, #tpu.memory_space<vmem>>, vector<1x256xf32>
    %mul3A_7 = arith.constant 9.99999974E-5 : f32
    %mul3A_8 = vector.broadcast %mul3A_7 : f32 to vector<1x256xf32>
    %mul3A_9 = arith.mulf %get3A_6, %mul3A_8 : vector<1x256xf32>
    %mul3A_10 = arith.mulf %mul3A_3, %mul3A_3 : vector<1x256xf32>
    %sub3A = arith.subf %mul3A_9, %mul3A_10 : vector<1x256xf32>
    %get3A_11 = arith.constant 0 : index
    %get3A_12 = arith.constant 0 : index
    %get3A_13 = vector.load %arg4[%get3A_11, %get3A_12] : memref<1x256xf32, #tpu.memory_space<vmem>>, vector<1x256xf32>
    %add3A = arith.constant 9.99999974E-6 : f32
    %add3A_14 = vector.broadcast %add3A : f32 to vector<1x256xf32>
    %add3A_15 = arith.addf %sub3A, %add3A_14 : vector<1x256xf32>
    %rsqrt3A = math.rsqrt %add3A_15 : vector<1x256xf32>
    %mul3A_16 = arith.mulf %get3A_13, %rsqrt3A : vector<1x256xf32>
    %get3A_17 = arith.constant 0 : index
    %get3A_18 = arith.constant 0 : index
    %get3A_19 = vector.load %arg1[%get3A_17, %get3A_18] : memref<400x256xf32, #tpu.memory_space<vmem>>, vector<400x256xf32>
    %sub3A_20 = vector.broadcast %mul3A_3 : vector<1x256xf32> to vector<400x256xf32>
    %sub3A_21 = arith.subf %get3A_19, %sub3A_20 : vector<400x256xf32>
    %mul3A_22 = vector.broadcast %mul3A_16 : vector<1x256xf32> to vector<400x256xf32>
    %mul3A_23 = arith.mulf %sub3A_21, %mul3A_22 : vector<400x256xf32>
    %get3A_24 = arith.constant 0 : index
    %get3A_25 = arith.constant 0 : index
    %get3A_26 = vector.load %arg5[%get3A_24, %get3A_25] : memref<1x256xf32, #tpu.memory_space<vmem>>, vector<1x256xf32>
    %add3A_27 = vector.broadcast %get3A_26 : vector<1x256xf32> to vector<400x256xf32>
    %add3A_28 = arith.addf %mul3A_23, %add3A_27 : vector<400x256xf32>
    %get3A_29 = arith.constant 0 : index
    %get3A_30 = arith.constant 0 : index
    %get3A_31 = vector.load %arg6[%get3A_29, %get3A_30] : memref<256x256xf32, #tpu.memory_space<vmem>>, vector<256x256xf32>
    %dot_general3A = arith.constant dense<0.000000e+00> : vector<400x256xf32>
    %dot_general3A_32 = tpu.matmul %add3A_28, %get3A_31, %dot_general3A {dimension_numbers = #tpu.dot_dimension_numbers<[1], [0], [0], [1], [0, 0, 1, 1], [], []>, transpose_lhs_hint = false} : vector<400x256xf32>, vector<256x256xf32>, vector<400x256xf32> -> vector<400x256xf32>
    %get3A_33 = arith.constant 0 : index
    %get3A_34 = arith.constant 0 : index
    %get3A_35 = arith.constant 0 : index
    %get3A_36 = vector.load %arg7[%get3A_33, %get3A_34, %get3A_35] : memref<2x400x16xf32, #tpu.memory_space<vmem>>, vector<2x400x16xf32>
    %slice3A = vector.extract_strided_slice %get3A_36 {offsets = [0, 0, 0], sizes = [1, 400, 1], strides = [1, 1, 1]} : vector<2x400x16xf32> to vector<1x400x1xf32>
    %squeeze3A = vector.shape_cast %slice3A : vector<1x400x1xf32> to vector<400x1xf32>
    %slice3A_37 = vector.extract_strided_slice %get3A_36 {offsets = [1, 0, 0], sizes = [1, 400, 1], strides = [1, 1, 1]} : vector<2x400x16xf32> to vector<1x400x1xf32>
    %squeeze3A_38 = vector.shape_cast %slice3A_37 : vector<1x400x1xf32> to vector<400x1xf32>
    %add3A_39 = arith.addf %squeeze3A, %squeeze3A_38 : vector<400x1xf32>
    %add3A_40 = arith.constant 1.000000e+00 : f32
    %add3A_41 = vector.broadcast %add3A_40 : f32 to vector<400x1xf32>
    %add3A_42 = arith.addf %add3A_39, %add3A_41 : vector<400x1xf32>
    %rsqrt3A_43 = math.rsqrt %add3A_42 : vector<400x1xf32>
    %mul3A_44 = vector.broadcast %rsqrt3A_43 : vector<400x1xf32> to vector<400x256xf32>
    %mul3A_45 = arith.mulf %dot_general3A_32, %mul3A_44 : vector<400x256xf32>
    %slice3A_46 = vector.extract_strided_slice %mul3A_45 {offsets = [0, 0], sizes = [400, 128], strides = [1, 1]} : vector<400x256xf32> to vector<400x128xf32>
    %swap3A = arith.constant 0 : index
    %swap3A_47 = arith.constant 0 : index
    %swap3A_48 = arith.constant 0 : index
    %swap3A_49 = vector.load %arg8[%swap3A, %swap3A_47, %swap3A_48] : memref<2x400x128xf32, #tpu.memory_space<vmem>>, vector<1x400x128xf32>
    %swap3A_50 = vector.shape_cast %swap3A_49 : vector<1x400x128xf32> to vector<400x128xf32>
    %swap3A_51 = vector.shape_cast %slice3A_46 : vector<400x128xf32> to vector<1x400x128xf32>
    tpu.vector_store %arg8[%swap3A, %swap3A_47, %swap3A_48], %swap3A_51 {strides = array<i32>} : memref<2x400x128xf32, #tpu.memory_space<vmem>>, vector<1x400x128xf32>,
    %slice3A_52 = vector.extract_strided_slice %mul3A_45 {offsets = [0, 128], sizes = [400, 128], strides = [1, 1]} : vector<400x256xf32> to vector<400x128xf32>
    %swap3A_53 = arith.constant 1 : index
    %swap3A_54 = arith.constant 0 : index
    %swap3A_55 = arith.constant 0 : index
    %swap3A_56 = vector.load %arg8[%swap3A_53, %swap3A_54, %swap3A_55] : memref<2x400x128xf32, #tpu.memory_space<vmem>>, vector<1x400x128xf32>
    %swap3A_57 = vector.shape_cast %swap3A_56 : vector<1x400x128xf32> to vector<400x128xf32>
    %swap3A_58 = vector.shape_cast %slice3A_52 : vector<400x128xf32> to vector<1x400x128xf32>
    tpu.vector_store %arg8[%swap3A_53, %swap3A_54, %swap3A_55], %swap3A_58 {strides = array<i32>} : memref<2x400x128xf32, #tpu.memory_space<vmem>>, vector<1x400x128xf32>,
    return
  }
  func.func @transform_0(%arg0: i32) -> (i32, i32) {
    %c0_i32 = arith.constant 0 : i32
    %c0_i32_0 = arith.constant 0 : i32
    return %arg0, %c0_i32 : i32, i32
  }
  func.func @transform_1(%arg0: i32) -> (i32, i32) {
    %c0_i32 = arith.constant 0 : i32
    %c0_i32_0 = arith.constant 0 : i32
    %c0_i32_1 = arith.constant 0 : i32
    return %c0_i32, %c0_i32_0 : i32, i32
  }
  func.func @transform_2(%arg0: i32) -> (i32, i32) {
    %c0_i32 = arith.constant 0 : i32
    %c0_i32_0 = arith.constant 0 : i32
    %c0_i32_1 = arith.constant 0 : i32
    return %c0_i32, %c0_i32_0 : i32, i32
  }
  func.func @transform_3(%arg0: i32) -> (i32, i32) {
    %c0_i32 = arith.constant 0 : i32
    %c0_i32_0 = arith.constant 0 : i32
    %c0_i32_1 = arith.constant 0 : i32
    return %c0_i32, %c0_i32_0 : i32, i32
  }
  func.func @transform_4(%arg0: i32) -> (i32, i32) {
    %c0_i32 = arith.constant 0 : i32
    %c0_i32_0 = arith.constant 0 : i32
    %c0_i32_1 = arith.constant 0 : i32
    return %c0_i32, %c0_i32_0 : i32, i32
  }
  func.func @transform_5(%arg0: i32) -> (i32, i32) {
    %c0_i32 = arith.constant 0 : i32
    %c0_i32_0 = arith.constant 0 : i32
    %c0_i32_1 = arith.constant 0 : i32
    return %c0_i32, %c0_i32_0 : i32, i32
  }
  func.func @transform_6(%arg0: i32) -> (i32, i32, i32) {
    %c0_i32 = arith.constant 0 : i32
    %c0_i32_0 = arith.constant 0 : i32
    %c0_i32_1 = arith.constant 0 : i32
    return %c0_i32, %arg0, %c0_i32_0 : i32, i32, i32
  }
  func.func @transform_7(%arg0: i32) -> (i32, i32, i32) {
    %c0_i32 = arith.constant 0 : i32
    %c0_i32_0 = arith.constant 0 : i32
    %c0_i32_1 = arith.constant 0 : i32
    return %c0_i32, %arg0, %c0_i32_0 : i32, i32, i32
  }
}

module attributes {stable_mosaic.version = 14 : i64} {
  func.func @_stats2_body(%arg0: i32, %arg1: memref<2x400x128xf32, #tpu.memory_space<vmem>>, %arg2: memref<2x400x16xf32, #tpu.memory_space<vmem>>, %arg3: memref<1x256xf32, #tpu.memory_space<vmem>>, %arg4: memref<1x256xf32, #tpu.memory_space<vmem>>) attributes {dimension_semantics = [#tpu.dimension_semantics<arbitrary>], iteration_bounds = array<i64: 25>, scalar_prefetch = 0 : i64, scratch_operands = 0 : i64, tpu.core_type = #tpu.core_type<tc>, window_params = [{transform_indices = @transform_0, window_bounds = array<i64: 2, 400, 128>}, {transform_indices = @transform_1, window_bounds = array<i64: 2, 400, 16>}, {pipeline_mode = #tpu.pipeline_mode<synchronous>, transform_indices = @transform_2, window_bounds = array<i64: 1, 256>}, {pipeline_mode = #tpu.pipeline_mode<synchronous>, transform_indices = @transform_3, window_bounds = array<i64: 1, 256>}]} {
    %eq3A = arith.constant 0 : i32
    %eq3A_0 = arith.cmpi eq, %arg0, %eq3A : i32
    %convert_element_type3A = arith.extui %eq3A_0 : i1 to i32
    %cond3A = arith.constant 0 : i32
    %cond3A_1 = arith.cmpi ne, %convert_element_type3A, %cond3A : i32
    scf.if %cond3A_1 {
      %broadcast_in_dim3A_37 = arith.constant 0.000000e+00 : f32
      %broadcast_in_dim3A_38 = vector.broadcast %broadcast_in_dim3A_37 : f32 to vector<1x256xf32>
      %swap3A_39 = arith.constant 0 : index
      %swap3A_40 = arith.constant 0 : index
      %swap3A_41 = vector.load %arg3[%swap3A_39, %swap3A_40] : memref<1x256xf32, #tpu.memory_space<vmem>>, vector<1x256xf32>
      tpu.vector_store %arg3[%swap3A_39, %swap3A_40], %broadcast_in_dim3A_38 {strides = array<i32>} : memref<1x256xf32, #tpu.memory_space<vmem>>, vector<1x256xf32>,
      %broadcast_in_dim3A_42 = arith.constant 0.000000e+00 : f32
      %broadcast_in_dim3A_43 = vector.broadcast %broadcast_in_dim3A_42 : f32 to vector<1x256xf32>
      %swap3A_44 = arith.constant 0 : index
      %swap3A_45 = arith.constant 0 : index
      %swap3A_46 = vector.load %arg4[%swap3A_44, %swap3A_45] : memref<1x256xf32, #tpu.memory_space<vmem>>, vector<1x256xf32>
      tpu.vector_store %arg4[%swap3A_44, %swap3A_45], %broadcast_in_dim3A_43 {strides = array<i32>} : memref<1x256xf32, #tpu.memory_space<vmem>>, vector<1x256xf32>,
    } else {
    }
    %get3A = arith.constant 0 : index
    %get3A_2 = arith.constant 0 : index
    %get3A_3 = arith.constant 0 : index
    %get3A_4 = vector.load %arg1[%get3A, %get3A_2, %get3A_3] : memref<2x400x128xf32, #tpu.memory_space<vmem>>, vector<2x400x128xf32>
    %slice3A = vector.extract_strided_slice %get3A_4 {offsets = [0, 0, 0], sizes = [1, 400, 128], strides = [1, 1, 1]} : vector<2x400x128xf32> to vector<1x400x128xf32>
    %squeeze3A = vector.shape_cast %slice3A : vector<1x400x128xf32> to vector<400x128xf32>
    %slice3A_5 = vector.extract_strided_slice %get3A_4 {offsets = [1, 0, 0], sizes = [1, 400, 128], strides = [1, 1, 1]} : vector<2x400x128xf32> to vector<1x400x128xf32>
    %squeeze3A_6 = vector.shape_cast %slice3A_5 : vector<1x400x128xf32> to vector<400x128xf32>
    %concatenate3A = tpu.concatenate %squeeze3A, %squeeze3A_6 in 1 : vector<400x128xf32>, vector<400x128xf32> -> vector<400x256xf32>
    %get3A_7 = arith.constant 0 : index
    %get3A_8 = arith.constant 0 : index
    %get3A_9 = arith.constant 0 : index
    %get3A_10 = vector.load %arg2[%get3A_7, %get3A_8, %get3A_9] : memref<2x400x16xf32, #tpu.memory_space<vmem>>, vector<2x400x16xf32>
    %slice3A_11 = vector.extract_strided_slice %get3A_10 {offsets = [0, 0, 0], sizes = [1, 400, 1], strides = [1, 1, 1]} : vector<2x400x16xf32> to vector<1x400x1xf32>
    %squeeze3A_12 = vector.shape_cast %slice3A_11 : vector<1x400x1xf32> to vector<400x1xf32>
    %slice3A_13 = vector.extract_strided_slice %get3A_10 {offsets = [1, 0, 0], sizes = [1, 400, 1], strides = [1, 1, 1]} : vector<2x400x16xf32> to vector<1x400x1xf32>
    %squeeze3A_14 = vector.shape_cast %slice3A_13 : vector<1x400x1xf32> to vector<400x1xf32>
    %add3A = arith.addf %squeeze3A_12, %squeeze3A_14 : vector<400x1xf32>
    %add3A_15 = arith.constant 1.000000e+00 : f32
    %add3A_16 = vector.broadcast %add3A_15 : f32 to vector<400x1xf32>
    %add3A_17 = arith.addf %add3A, %add3A_16 : vector<400x1xf32>
    %rsqrt3A = math.rsqrt %add3A_17 : vector<400x1xf32>
    %mul3A = vector.broadcast %rsqrt3A : vector<400x1xf32> to vector<400x256xf32>
    %mul3A_18 = arith.mulf %concatenate3A, %mul3A : vector<400x256xf32>
    %get3A_19 = arith.constant 0 : index
    %get3A_20 = arith.constant 0 : index
    %get3A_21 = vector.load %arg3[%get3A_19, %get3A_20] : memref<1x256xf32, #tpu.memory_space<vmem>>, vector<1x256xf32>
    %reduce_sum3A = arith.constant dense<0.000000e+00> : vector<256xf32>
    %reduce_sum3A_22 = vector.multi_reduction <add>, %mul3A_18, %reduce_sum3A [0] : vector<400x256xf32> to vector<256xf32>
    %broadcast_in_dim3A = vector.shape_cast %reduce_sum3A_22 : vector<256xf32> to vector<1x256xf32>
    %add3A_23 = arith.addf %get3A_21, %broadcast_in_dim3A : vector<1x256xf32>
    %swap3A = arith.constant 0 : index
    %swap3A_24 = arith.constant 0 : index
    %swap3A_25 = vector.load %arg3[%swap3A, %swap3A_24] : memref<1x256xf32, #tpu.memory_space<vmem>>, vector<1x256xf32>
    tpu.vector_store %arg3[%swap3A, %swap3A_24], %add3A_23 {strides = array<i32>} : memref<1x256xf32, #tpu.memory_space<vmem>>, vector<1x256xf32>,
    %get3A_26 = arith.constant 0 : index
    %get3A_27 = arith.constant 0 : index
    %get3A_28 = vector.load %arg4[%get3A_26, %get3A_27] : memref<1x256xf32, #tpu.memory_space<vmem>>, vector<1x256xf32>
    %mul3A_29 = arith.mulf %mul3A_18, %mul3A_18 : vector<400x256xf32>
    %reduce_sum3A_30 = arith.constant dense<0.000000e+00> : vector<256xf32>
    %reduce_sum3A_31 = vector.multi_reduction <add>, %mul3A_29, %reduce_sum3A_30 [0] : vector<400x256xf32> to vector<256xf32>
    %broadcast_in_dim3A_32 = vector.shape_cast %reduce_sum3A_31 : vector<256xf32> to vector<1x256xf32>
    %add3A_33 = arith.addf %get3A_28, %broadcast_in_dim3A_32 : vector<1x256xf32>
    %swap3A_34 = arith.constant 0 : index
    %swap3A_35 = arith.constant 0 : index
    %swap3A_36 = vector.load %arg4[%swap3A_34, %swap3A_35] : memref<1x256xf32, #tpu.memory_space<vmem>>, vector<1x256xf32>
    tpu.vector_store %arg4[%swap3A_34, %swap3A_35], %add3A_33 {strides = array<i32>} : memref<1x256xf32, #tpu.memory_space<vmem>>, vector<1x256xf32>,
    return
  }
  func.func @transform_0(%arg0: i32) -> (i32, i32, i32) {
    %c0_i32 = arith.constant 0 : i32
    %c0_i32_0 = arith.constant 0 : i32
    %c0_i32_1 = arith.constant 0 : i32
    return %c0_i32, %arg0, %c0_i32_0 : i32, i32, i32
  }
  func.func @transform_1(%arg0: i32) -> (i32, i32, i32) {
    %c0_i32 = arith.constant 0 : i32
    %c0_i32_0 = arith.constant 0 : i32
    %c0_i32_1 = arith.constant 0 : i32
    return %c0_i32, %arg0, %c0_i32_0 : i32, i32, i32
  }
  func.func @transform_2(%arg0: i32) -> (i32, i32) {
    %c0_i32 = arith.constant 0 : i32
    %c0_i32_0 = arith.constant 0 : i32
    %c0_i32_1 = arith.constant 0 : i32
    return %c0_i32, %c0_i32_0 : i32, i32
  }
  func.func @transform_3(%arg0: i32) -> (i32, i32) {
    %c0_i32 = arith.constant 0 : i32
    %c0_i32_0 = arith.constant 0 : i32
    %c0_i32_1 = arith.constant 0 : i32
    return %c0_i32, %c0_i32_0 : i32, i32
  }
}

module attributes {stable_mosaic.version = 14 : i64} {
  func.func @_apply2_body(%arg0: i32, %arg1: memref<2x400x128xf32, #tpu.memory_space<vmem>>, %arg2: memref<1x256xf32, #tpu.memory_space<vmem>>, %arg3: memref<1x256xf32, #tpu.memory_space<vmem>>, %arg4: memref<1x256xf32, #tpu.memory_space<vmem>>, %arg5: memref<1x256xf32, #tpu.memory_space<vmem>>, %arg6: memref<256x256xf32, #tpu.memory_space<vmem>>, %arg7: memref<2x400x16xf32, #tpu.memory_space<vmem>>, %arg8: memref<2x400x128xf32, #tpu.memory_space<vmem>>) attributes {dimension_semantics = [#tpu.dimension_semantics<arbitrary>], iteration_bounds = array<i64: 25>, scalar_prefetch = 0 : i64, scratch_operands = 0 : i64, tpu.core_type = #tpu.core_type<tc>, window_params = [{transform_indices = @transform_0, window_bounds = array<i64: 2, 400, 128>}, {pipeline_mode = #tpu.pipeline_mode<synchronous>, transform_indices = @transform_1, window_bounds = array<i64: 1, 256>}, {pipeline_mode = #tpu.pipeline_mode<synchronous>, transform_indices = @transform_2, window_bounds = array<i64: 1, 256>}, {pipeline_mode = #tpu.pipeline_mode<synchronous>, transform_indices = @transform_3, window_bounds = array<i64: 1, 256>}, {pipeline_mode = #tpu.pipeline_mode<synchronous>, transform_indices = @transform_4, window_bounds = array<i64: 1, 256>}, {pipeline_mode = #tpu.pipeline_mode<synchronous>, transform_indices = @transform_5, window_bounds = array<i64: 256, 256>}, {transform_indices = @transform_6, window_bounds = array<i64: 2, 400, 16>}, {transform_indices = @transform_7, window_bounds = array<i64: 2, 400, 128>}]} {
    %get3A = arith.constant 0 : index
    %get3A_0 = arith.constant 0 : index
    %get3A_1 = arith.constant 0 : index
    %get3A_2 = vector.load %arg7[%get3A, %get3A_0, %get3A_1] : memref<2x400x16xf32, #tpu.memory_space<vmem>>, vector<2x400x16xf32>
    %slice3A = vector.extract_strided_slice %get3A_2 {offsets = [0, 0, 0], sizes = [1, 400, 1], strides = [1, 1, 1]} : vector<2x400x16xf32> to vector<1x400x1xf32>
    %squeeze3A = vector.shape_cast %slice3A : vector<1x400x1xf32> to vector<400x1xf32>
    %slice3A_3 = vector.extract_strided_slice %get3A_2 {offsets = [1, 0, 0], sizes = [1, 400, 1], strides = [1, 1, 1]} : vector<2x400x16xf32> to vector<1x400x1xf32>
    %squeeze3A_4 = vector.shape_cast %slice3A_3 : vector<1x400x1xf32> to vector<400x1xf32>
    %add3A = arith.addf %squeeze3A, %squeeze3A_4 : vector<400x1xf32>
    %add3A_5 = arith.constant 1.000000e+00 : f32
    %add3A_6 = vector.broadcast %add3A_5 : f32 to vector<400x1xf32>
    %add3A_7 = arith.addf %add3A, %add3A_6 : vector<400x1xf32>
    %rsqrt3A = math.rsqrt %add3A_7 : vector<400x1xf32>
    %get3A_8 = arith.constant 0 : index
    %get3A_9 = arith.constant 0 : index
    %get3A_10 = arith.constant 0 : index
    %get3A_11 = vector.load %arg1[%get3A_8, %get3A_9, %get3A_10] : memref<2x400x128xf32, #tpu.memory_space<vmem>>, vector<2x400x128xf32>
    %slice3A_12 = vector.extract_strided_slice %get3A_11 {offsets = [0, 0, 0], sizes = [1, 400, 128], strides = [1, 1, 1]} : vector<2x400x128xf32> to vector<1x400x128xf32>
    %squeeze3A_13 = vector.shape_cast %slice3A_12 : vector<1x400x128xf32> to vector<400x128xf32>
    %slice3A_14 = vector.extract_strided_slice %get3A_11 {offsets = [1, 0, 0], sizes = [1, 400, 128], strides = [1, 1, 1]} : vector<2x400x128xf32> to vector<1x400x128xf32>
    %squeeze3A_15 = vector.shape_cast %slice3A_14 : vector<1x400x128xf32> to vector<400x128xf32>
    %concatenate3A = tpu.concatenate %squeeze3A_13, %squeeze3A_15 in 1 : vector<400x128xf32>, vector<400x128xf32> -> vector<400x256xf32>
    %mul3A = vector.broadcast %rsqrt3A : vector<400x1xf32> to vector<400x256xf32>
    %mul3A_16 = arith.mulf %concatenate3A, %mul3A : vector<400x256xf32>
    %get3A_17 = arith.constant 0 : index
    %get3A_18 = arith.constant 0 : index
    %get3A_19 = vector.load %arg2[%get3A_17, %get3A_18] : memref<1x256xf32, #tpu.memory_space<vmem>>, vector<1x256xf32>
    %mul3A_20 = arith.constant 9.99999974E-5 : f32
    %mul3A_21 = vector.broadcast %mul3A_20 : f32 to vector<1x256xf32>
    %mul3A_22 = arith.mulf %get3A_19, %mul3A_21 : vector<1x256xf32>
    %get3A_23 = arith.constant 0 : index
    %get3A_24 = arith.constant 0 : index
    %get3A_25 = vector.load %arg3[%get3A_23, %get3A_24] : memref<1x256xf32, #tpu.memory_space<vmem>>, vector<1x256xf32>
    %mul3A_26 = arith.constant 9.99999974E-5 : f32
    %mul3A_27 = vector.broadcast %mul3A_26 : f32 to vector<1x256xf32>
    %mul3A_28 = arith.mulf %get3A_25, %mul3A_27 : vector<1x256xf32>
    %mul3A_29 = arith.mulf %mul3A_22, %mul3A_22 : vector<1x256xf32>
    %sub3A = arith.subf %mul3A_28, %mul3A_29 : vector<1x256xf32>
    %get3A_30 = arith.constant 0 : index
    %get3A_31 = arith.constant 0 : index
    %get3A_32 = vector.load %arg4[%get3A_30, %get3A_31] : memref<1x256xf32, #tpu.memory_space<vmem>>, vector<1x256xf32>
    %add3A_33 = arith.constant 9.99999974E-6 : f32
    %add3A_34 = vector.broadcast %add3A_33 : f32 to vector<1x256xf32>
    %add3A_35 = arith.addf %sub3A, %add3A_34 : vector<1x256xf32>
    %rsqrt3A_36 = math.rsqrt %add3A_35 : vector<1x256xf32>
    %mul3A_37 = arith.mulf %get3A_32, %rsqrt3A_36 : vector<1x256xf32>
    %sub3A_38 = vector.broadcast %mul3A_22 : vector<1x256xf32> to vector<400x256xf32>
    %sub3A_39 = arith.subf %mul3A_16, %sub3A_38 : vector<400x256xf32>
    %mul3A_40 = vector.broadcast %mul3A_37 : vector<1x256xf32> to vector<400x256xf32>
    %mul3A_41 = arith.mulf %sub3A_39, %mul3A_40 : vector<400x256xf32>
    %get3A_42 = arith.constant 0 : index
    %get3A_43 = arith.constant 0 : index
    %get3A_44 = vector.load %arg5[%get3A_42, %get3A_43] : memref<1x256xf32, #tpu.memory_space<vmem>>, vector<1x256xf32>
    %add3A_45 = vector.broadcast %get3A_44 : vector<1x256xf32> to vector<400x256xf32>
    %add3A_46 = arith.addf %mul3A_41, %add3A_45 : vector<400x256xf32>
    %get3A_47 = arith.constant 0 : index
    %get3A_48 = arith.constant 0 : index
    %get3A_49 = vector.load %arg6[%get3A_47, %get3A_48] : memref<256x256xf32, #tpu.memory_space<vmem>>, vector<256x256xf32>
    %dot_general3A = arith.constant dense<0.000000e+00> : vector<400x256xf32>
    %dot_general3A_50 = tpu.matmul %add3A_46, %get3A_49, %dot_general3A {dimension_numbers = #tpu.dot_dimension_numbers<[1], [0], [0], [1], [0, 0, 1, 1], [], []>, transpose_lhs_hint = false} : vector<400x256xf32>, vector<256x256xf32>, vector<400x256xf32> -> vector<400x256xf32>
    %mul3A_51 = vector.broadcast %rsqrt3A : vector<400x1xf32> to vector<400x256xf32>
    %mul3A_52 = arith.mulf %dot_general3A_50, %mul3A_51 : vector<400x256xf32>
    %slice3A_53 = vector.extract_strided_slice %mul3A_52 {offsets = [0, 0], sizes = [400, 128], strides = [1, 1]} : vector<400x256xf32> to vector<400x128xf32>
    %swap3A = arith.constant 0 : index
    %swap3A_54 = arith.constant 0 : index
    %swap3A_55 = arith.constant 0 : index
    %swap3A_56 = vector.load %arg8[%swap3A, %swap3A_54, %swap3A_55] : memref<2x400x128xf32, #tpu.memory_space<vmem>>, vector<1x400x128xf32>
    %swap3A_57 = vector.shape_cast %swap3A_56 : vector<1x400x128xf32> to vector<400x128xf32>
    %swap3A_58 = vector.shape_cast %slice3A_53 : vector<400x128xf32> to vector<1x400x128xf32>
    tpu.vector_store %arg8[%swap3A, %swap3A_54, %swap3A_55], %swap3A_58 {strides = array<i32>} : memref<2x400x128xf32, #tpu.memory_space<vmem>>, vector<1x400x128xf32>,
    %slice3A_59 = vector.extract_strided_slice %mul3A_52 {offsets = [0, 128], sizes = [400, 128], strides = [1, 1]} : vector<400x256xf32> to vector<400x128xf32>
    %swap3A_60 = arith.constant 1 : index
    %swap3A_61 = arith.constant 0 : index
    %swap3A_62 = arith.constant 0 : index
    %swap3A_63 = vector.load %arg8[%swap3A_60, %swap3A_61, %swap3A_62] : memref<2x400x128xf32, #tpu.memory_space<vmem>>, vector<1x400x128xf32>
    %swap3A_64 = vector.shape_cast %swap3A_63 : vector<1x400x128xf32> to vector<400x128xf32>
    %swap3A_65 = vector.shape_cast %slice3A_59 : vector<400x128xf32> to vector<1x400x128xf32>
    tpu.vector_store %arg8[%swap3A_60, %swap3A_61, %swap3A_62], %swap3A_65 {strides = array<i32>} : memref<2x400x128xf32, #tpu.memory_space<vmem>>, vector<1x400x128xf32>,
    return
  }
  func.func @transform_0(%arg0: i32) -> (i32, i32, i32) {
    %c0_i32 = arith.constant 0 : i32
    %c0_i32_0 = arith.constant 0 : i32
    %c0_i32_1 = arith.constant 0 : i32
    return %c0_i32, %arg0, %c0_i32_0 : i32, i32, i32
  }
  func.func @transform_1(%arg0: i32) -> (i32, i32) {
    %c0_i32 = arith.constant 0 : i32
    %c0_i32_0 = arith.constant 0 : i32
    %c0_i32_1 = arith.constant 0 : i32
    return %c0_i32, %c0_i32_0 : i32, i32
  }
  func.func @transform_2(%arg0: i32) -> (i32, i32) {
    %c0_i32 = arith.constant 0 : i32
    %c0_i32_0 = arith.constant 0 : i32
    %c0_i32_1 = arith.constant 0 : i32
    return %c0_i32, %c0_i32_0 : i32, i32
  }
  func.func @transform_3(%arg0: i32) -> (i32, i32) {
    %c0_i32 = arith.constant 0 : i32
    %c0_i32_0 = arith.constant 0 : i32
    %c0_i32_1 = arith.constant 0 : i32
    return %c0_i32, %c0_i32_0 : i32, i32
  }
  func.func @transform_4(%arg0: i32) -> (i32, i32) {
    %c0_i32 = arith.constant 0 : i32
    %c0_i32_0 = arith.constant 0 : i32
    %c0_i32_1 = arith.constant 0 : i32
    return %c0_i32, %c0_i32_0 : i32, i32
  }
  func.func @transform_5(%arg0: i32) -> (i32, i32) {
    %c0_i32 = arith.constant 0 : i32
    %c0_i32_0 = arith.constant 0 : i32
    %c0_i32_1 = arith.constant 0 : i32
    return %c0_i32, %c0_i32_0 : i32, i32
  }
  func.func @transform_6(%arg0: i32) -> (i32, i32, i32) {
    %c0_i32 = arith.constant 0 : i32
    %c0_i32_0 = arith.constant 0 : i32
    %c0_i32_1 = arith.constant 0 : i32
    return %c0_i32, %arg0, %c0_i32_0 : i32, i32, i32
  }
  func.func @transform_7(%arg0: i32) -> (i32, i32, i32) {
    %c0_i32 = arith.constant 0 : i32
    %c0_i32_0 = arith.constant 0 : i32
    %c0_i32_1 = arith.constant 0 : i32
    return %c0_i32, %arg0, %c0_i32_0 : i32, i32, i32
  }
}

module attributes {stable_mosaic.version = 14 : i64} {
  func.func @_final_body(%arg0: i32, %arg1: memref<2x400x128xf32, #tpu.memory_space<vmem>>, %arg2: memref<2x400x16xf32, #tpu.memory_space<vmem>>, %arg3: memref<1x256xf32, #tpu.memory_space<vmem>>, %arg4: memref<400x256xf32, #tpu.memory_space<vmem>>) attributes {dimension_semantics = [#tpu.dimension_semantics<arbitrary>], iteration_bounds = array<i64: 25>, scalar_prefetch = 0 : i64, scratch_operands = 0 : i64, tpu.core_type = #tpu.core_type<tc>, window_params = [{transform_indices = @transform_0, window_bounds = array<i64: 2, 400, 128>}, {transform_indices = @transform_1, window_bounds = array<i64: 2, 400, 16>}, {pipeline_mode = #tpu.pipeline_mode<synchronous>, transform_indices = @transform_2, window_bounds = array<i64: 1, 256>}, {transform_indices = @transform_3, window_bounds = array<i64: 400, 256>}]} {
    %get3A = arith.constant 0 : index
    %get3A_0 = arith.constant 0 : index
    %get3A_1 = arith.constant 0 : index
    %get3A_2 = vector.load %arg2[%get3A, %get3A_0, %get3A_1] : memref<2x400x16xf32, #tpu.memory_space<vmem>>, vector<2x400x16xf32>
    %slice3A = vector.extract_strided_slice %get3A_2 {offsets = [0, 0, 0], sizes = [1, 400, 1], strides = [1, 1, 1]} : vector<2x400x16xf32> to vector<1x400x1xf32>
    %squeeze3A = vector.shape_cast %slice3A : vector<1x400x1xf32> to vector<400x1xf32>
    %slice3A_3 = vector.extract_strided_slice %get3A_2 {offsets = [1, 0, 0], sizes = [1, 400, 1], strides = [1, 1, 1]} : vector<2x400x16xf32> to vector<1x400x1xf32>
    %squeeze3A_4 = vector.shape_cast %slice3A_3 : vector<1x400x1xf32> to vector<400x1xf32>
    %add3A = arith.addf %squeeze3A, %squeeze3A_4 : vector<400x1xf32>
    %add3A_5 = arith.constant 1.000000e+00 : f32
    %add3A_6 = vector.broadcast %add3A_5 : f32 to vector<400x1xf32>
    %add3A_7 = arith.addf %add3A, %add3A_6 : vector<400x1xf32>
    %rsqrt3A = math.rsqrt %add3A_7 : vector<400x1xf32>
    %get3A_8 = arith.constant 0 : index
    %get3A_9 = arith.constant 0 : index
    %get3A_10 = arith.constant 0 : index
    %get3A_11 = vector.load %arg1[%get3A_8, %get3A_9, %get3A_10] : memref<2x400x128xf32, #tpu.memory_space<vmem>>, vector<2x400x128xf32>
    %slice3A_12 = vector.extract_strided_slice %get3A_11 {offsets = [0, 0, 0], sizes = [1, 400, 128], strides = [1, 1, 1]} : vector<2x400x128xf32> to vector<1x400x128xf32>
    %squeeze3A_13 = vector.shape_cast %slice3A_12 : vector<1x400x128xf32> to vector<400x128xf32>
    %slice3A_14 = vector.extract_strided_slice %get3A_11 {offsets = [1, 0, 0], sizes = [1, 400, 128], strides = [1, 1, 1]} : vector<2x400x128xf32> to vector<1x400x128xf32>
    %squeeze3A_15 = vector.shape_cast %slice3A_14 : vector<1x400x128xf32> to vector<400x128xf32>
    %concatenate3A = tpu.concatenate %squeeze3A_13, %squeeze3A_15 in 1 : vector<400x128xf32>, vector<400x128xf32> -> vector<400x256xf32>
    %mul3A = vector.broadcast %rsqrt3A : vector<400x1xf32> to vector<400x256xf32>
    %mul3A_16 = arith.mulf %concatenate3A, %mul3A : vector<400x256xf32>
    %get3A_17 = arith.constant 0 : index
    %get3A_18 = arith.constant 0 : index
    %get3A_19 = vector.load %arg3[%get3A_17, %get3A_18] : memref<1x256xf32, #tpu.memory_space<vmem>>, vector<1x256xf32>
    %add3A_20 = vector.broadcast %get3A_19 : vector<1x256xf32> to vector<400x256xf32>
    %add3A_21 = arith.addf %mul3A_16, %add3A_20 : vector<400x256xf32>
    %max3A = arith.constant 0.000000e+00 : f32
    %max3A_22 = vector.broadcast %max3A : f32 to vector<400x256xf32>
    %max3A_23 = arith.maximumf %add3A_21, %max3A_22 : vector<400x256xf32>
    %swap3A = arith.constant 0 : index
    %swap3A_24 = arith.constant 0 : index
    %swap3A_25 = vector.load %arg4[%swap3A, %swap3A_24] : memref<400x256xf32, #tpu.memory_space<vmem>>, vector<400x256xf32>
    tpu.vector_store %arg4[%swap3A, %swap3A_24], %max3A_23 {strides = array<i32>} : memref<400x256xf32, #tpu.memory_space<vmem>>, vector<400x256xf32>,
    return
  }
  func.func @transform_0(%arg0: i32) -> (i32, i32, i32) {
    %c0_i32 = arith.constant 0 : i32
    %c0_i32_0 = arith.constant 0 : i32
    %c0_i32_1 = arith.constant 0 : i32
    return %c0_i32, %arg0, %c0_i32_0 : i32, i32, i32
  }
  func.func @transform_1(%arg0: i32) -> (i32, i32, i32) {
    %c0_i32 = arith.constant 0 : i32
    %c0_i32_0 = arith.constant 0 : i32
    %c0_i32_1 = arith.constant 0 : i32
    return %c0_i32, %arg0, %c0_i32_0 : i32, i32, i32
  }
  func.func @transform_2(%arg0: i32) -> (i32, i32) {
    %c0_i32 = arith.constant 0 : i32
    %c0_i32_0 = arith.constant 0 : i32
    %c0_i32_1 = arith.constant 0 : i32
    return %c0_i32, %c0_i32_0 : i32, i32
  }
  func.func @transform_3(%arg0: i32) -> (i32, i32) {
    %c0_i32 = arith.constant 0 : i32
    %c0_i32_0 = arith.constant 0 : i32
    return %arg0, %c0_i32 : i32, i32
  }
}

</mosaic_0001>

<sc_bundles>
// kernel: kernel.10.cloned.1.call-start
scs
__scs_entry_jumppad:
0x0: {  	(pc) =	sbr.rel $0x88, $3  }
0x1: {  	(tag) =	ssettag $0x0;
	lr =	simm.s32 $0x1  }
0x2: {  	[smem:$0x3F98] =	sst lr;
	_ =	strace $0xD0000000  }
0x3: {  	_ = 	snop  }
0x4: {  	_ = 	snop  }
0x5: {  	_ = 	snop  }
0x6: {  	_ = 	snop  }
0x7: {  	_ = 	snop  }
__scs_overlays_trampoline_lowered:
0x8: {  	[smem:$0x3FA7] =	sst s0  }
0x9: {  	[smem:$0x3FA8] =	sst s1  }
0xa: {  	[smem:$0x3FA9] =	sst s2  }
0xb: {  	[smem:$0x3FAA] =	sst s3  }
0xc: {  	[smem:$0x3FAB] =	sst s4  }
0xd: {  	[smem:$0x3FAC] =	sst s5  }
0xe: {  	[smem:$0x3FAD] =	sst s6  }
0xf: {  	[smem:$0x3FAE] =	sst s7  }
0x10: {  	[smem:$0x3FAF] =	sst s8  }
0x11: {  	[smem:$0x3FB0] =	sst s9;
	s0 =	simm.s32 @!p0 $0x0  }
0x12: {  	s1 =	sld [smem:$0x3F96];
	s0 =	simm.s32 @p0 $0x1  }
0x13: {  	[smem:$0x3FB1] =	sst s0;
	s0 =	simm.s32 @!p1 $0x0  }
0x14: {  	s2 =	sld [smem:$0x3F95];
	s0 =	simm.s32 @p1 $0x1  }
0x15: {  	[smem:$0x3FB2] =	sst s0;
	s0 =	simm.s32 @!p2 $0x0  }
0x16: {  	s3 =	sld [smem:$0x3FDB];
	s0 =	simm.s32 @p2 $0x1  }
0x17: {  	s4 =	simm.s32 $0x1BF5;
	[smem:$0x3FB4] =	sst s0  }
0x18: {  	s0 =	sld [smem:$0x3F97];
	_ =	swait.ge [sflag:s4], $0x0  }
0x19: {  	s7 =	sld [smem:$0x3F98]  }
0x1a: {  	s8 =	sadd.s32 $0xFFFFE003, lr  }
0x1b: {  	s9 =	sadd.s32 $0xFFFFFEF7, lr;
	s5 =	simm.s32 $0xFFFFFFFF;
	p2 =	slt.u32 s8, $0xFFFFF086  }
0x1c: {  	p1 =	slt.u32 s9, $0xF7A;
	s5 =	simm.s32 @!p2 $0x0  }
0x1d: {  	s5 =	simm.s32 @p1 $0x1;
	p0 =	seq.s32 s7, s2  }
0x1e: {  	s7 =	smul.u32 @!p0 $0xF7A, s2;
	p2 =	seq.s32 @!p0 s5, $0x0  }
0x1f: {  	s9 =	smul.u32 $0xF7A, s1;
	s8 =	simm.s32 @!p0 $0x1BF5;
	p2 =	por !p2, p0  }
0x20: {  	[sflag:s8] =	ssyncset.s32 @!p0 $0xFFFFF086;
	s6 =	sadd.s32 @!p0 s3, s7;
	s7 =	simm.s32 @!p0 $0x108  }
0x21: {  	s3 =	sadd.s32 s3, s9;
	s6 =	sadd.s32 @!p0 $0x88, s6;
	s7 =	simm.s32 @p2 $0x1082  }
0x22: {  	[simem:s7], [sflag:s8] =	dma.local @!p0 [hbm:s6], $0xF7A  }
0x23: {  	s9 =	sor.u32 $0xD0000000, s2;
	s6 =	simm.s32 $0x108;
	_ =	swait.ge @!p0 [sflag:s8], $0x0  }
0x24: {  	s3 =	sadd.s32 $0x88, s3;
	s6 =	simm.s32 @!p1 $0x1082;
	[sflag:s4] =	ssyncset.s32 $0xFFFFF086  }
0x25: {  	[simem:s6], [sflag:s4] =	dma.local [hbm:s3], $0xF7A  }
0x26: {  	[smem:$0x3F98] =	sst s1;
	(tag) =	ssettag s2;
	_ =	strace s9  }
0x27: {  	s1 =	sld [smem:$0x3FA8]  }
0x28: {  	s2 =	sld [smem:$0x3FA9]  }
0x29: {  	s4 =	sld [smem:$0x3FAB]  }
0x2a: {  	p0 =	seq.s32 s5, $0x0;
	s5 =	sld [smem:$0x3FAC]  }
0x2b: {  	s6 =	sld [smem:$0x3FAD]  }
0x2c: {  	s7 =	sld [smem:$0x3FAE]  }
0x2d: {  	s3 =	simm.s32 $0x108;
	s8 =	sld [smem:$0x3FAF]  }
0x2e: {  	s3 =	simm.s32 @!p0 $0x1082;
	s9 =	sld [smem:$0x3FB0]  }
0x2f: {  	lr =	sadd.s32 s0, s3;
	s0 =	sld [smem:$0x3FA7]  }
0x30: {  	s3 =	sld [smem:$0x3FAA]  }
0x31: {  	[smem:$0x3FB3] =	sst s10  }
0x32: {  	s10 =	sld [smem:$0x3FB1];
	_ =	sdelay $0x3  }
0x33: {  	p0 =	seq.s32 s10, $0x1;
	s10 =	sld [smem:$0x3FB3];
	_ =	sdelay $0x3  }
0x34: {  	[smem:$0x3FB3] =	sst s10  }
0x35: {  	s10 =	sld [smem:$0x3FB2];
	_ =	sdelay $0x3  }
0x36: {  	p1 =	seq.s32 s10, $0x1;
	s10 =	sld [smem:$0x3FB3];
	_ =	sdelay $0x3  }
0x37: {  	[smem:$0x3FB3] =	sst s10  }
0x38: {  	s10 =	sld [smem:$0x3FB4]  }
0x39: {  	_ = 	snop;
	(pc) =	sbr.ind lr, $3  }
0x3a: {  	_ = 	snop  }
0x3b: {  	_ = 	snop  }
0x3c: {  	p2 =	seq.s32 s10, $0x1;
	s10 =	sld [smem:$0x3FB3]  }
0x3d: {  	_ =	shalt  }
0x3e: {  	_ =	shalt  }
0x3f: {  	_ =	shalt  }
0x40: {  	_ =	shalt  }
0x41: {  	_ =	shalt  }
0x42: {  	_ =	shalt  }
0x43: {  	_ =	shalt  }
0x44: {  	_ =	shalt  }
0x45: {  	_ =	shalt  }
0x46: {  	_ =	shalt  }
0x47: {  	_ =	shalt  }
0x48: {  	_ =	shalt  }
0x49: {  	_ =	shalt  }
0x4a: {  	_ =	shalt  }
0x4b: {  	_ =	shalt  }
0x4c: {  	_ =	shalt  }
0x4d: {  	_ =	shalt  }
0x4e: {  	_ =	shalt  }
0x4f: {  	_ =	shalt  }
0x50: {  	_ =	shalt  }
0x51: {  	_ =	shalt  }
0x52: {  	_ =	shalt  }
0x53: {  	_ =	shalt  }
0x54: {  	_ =	shalt  }
0x55: {  	_ =	shalt  }
0x56: {  	_ =	shalt  }
0x57: {  	_ =	shalt  }
0x58: {  	_ =	shalt  }
0x59: {  	_ =	shalt  }
0x5a: {  	_ =	shalt  }
0x5b: {  	_ =	shalt  }
0x5c: {  	_ =	shalt  }
0x5d: {  	_ =	shalt  }
0x5e: {  	_ =	shalt  }
0x5f: {  	_ =	shalt  }
0x60: {  	_ =	shalt  }
0x61: {  	_ =	shalt  }
0x62: {  	_ =	shalt  }
0x63: {  	_ =	shalt  }
0x64: {  	_ =	shalt  }
0x65: {  	_ =	shalt  }
0x66: {  	_ =	shalt  }
0x67: {  	_ =	shalt  }
0x68: {  	_ =	shalt  }
0x69: {  	_ =	shalt  }
0x6a: {  	_ =	shalt  }
0x6b: {  	_ =	shalt  }
0x6c: {  	_ =	shalt  }
0x6d: {  	_ =	shalt  }
0x6e: {  	_ =	shalt  }
0x6f: {  	_ =	shalt  }
0x70: {  	_ =	shalt  }
0x71: {  	_ =	shalt  }
0x72: {  	_ =	shalt  }
0x73: {  	_ =	shalt  }
0x74: {  	_ =	shalt  }
0x75: {  	_ =	shalt  }
0x76: {  	_ =	shalt  }
0x77: {  	_ =	shalt  }
0x78: {  	_ =	shalt  }
0x79: {  	_ =	shalt  }
0x7a: {  	_ =	shalt  }
0x7b: {  	_ =	shalt  }
0x7c: {  	_ =	shalt  }
0x7d: {  	_ =	shalt  }
0x7e: {  	_ =	shalt  }
0x7f: {  	_ =	shalt  }
0x80: {  	_ =	shalt  }
0x81: {  	_ =	shalt  }
0x82: {  	_ =	shalt  }
0x83: {  	_ =	shalt  }
0x84: {  	_ =	shalt  }
0x85: {  	_ =	shalt  }
0x86: {  	_ =	shalt  }
0x87: {  	_ =	shalt  }
.Lfunc_end0:
.L_simem_size_0:
called_computation_lowered:
.L_overlay_start_0:
0x88: {  	s2 =	sld [smem:$0x3FD9]  }
0x89: {  	s3 =	sld [smem:$0x3FFE];
	_ =	sdelay $0x1  }
0x8a: {  	s1 =	srdreg.scid  }
0x8b: {  	s0 =	sand.u32 $0x1, s1  }
0x8c: {  	s16 =	sshll.u32 s0, $0xA;
	s2 =	sadd.s32 s3, s2  }
0x8d: {  	s2 =	sadd.s32 s2, s16  }
0x8e: {  	[smem:$0x3FBF] =	sst s2  }
0x8f: {  	_ = 	snop  }
0x90: {  	(tm) =	ssettm $0x1  }
0x91: {  	s17 =	sld [smem:$0x3FFB];
	_ =	sdelay $0x3  }
0x92: {  	_ =	strace s17  }
0x93: {  	s2 =	sld [smem:$0x3FFC];
	_ =	sdelay $0x3  }
0x94: {  	_ =	strace s2  }
0x95: {  	s2 =	sld [smem:$0x3FFD];
	_ =	sdelay $0x3  }
0x96: {  	_ =	strace s2  }
0x97: {  	_ =	strace $0x8FFFFFFF  }
0x98: {  	s18 =	sld [smem:$0x3FDB];
	_ =	sdelay $0x1  }
0x99: {  	s19 =	simm.s32 $_scs_section_size  }
0x9a: {  	s4 =	simm.s32 $_size__tile_overlayer_lowered;
	s5 =	simm.s32 $_tile_overlayer_lowered  }
0x9b: {  	s22 =	simm.s32 $0x1BFF;
	s21 =	sshll.u32 s5, $0x1;
	s2 =	sadd.s32 s19, s18  }
0x9c: {  	s6 =	simm.s32 $0x0;
	s20 =	sshll.u32 s4, $0x1;
	s4 =	sadd.s32 s21, s2  }
0x9d: {  	[timem:s6], [sflag:s22] =	dma.local [hbm:s4], s20  }
0x9e: {  	_ =	swait.ge [sflag:s22], s20  }
0x9f: {  	s3 =	ssub.s32 $0x0, s20;
	[sflag:s22] =	ssyncset.done $0x0  }
0xa0: {  	[sflag:s22] =	ssyncadd.s32 s3;
	_ =	sdelay $0x1  }
0xa1: {  	s23 =	simm.s32 $0x1B8B  }
0xa2: {  	_ =	swait.ge [sflag:s23], $0x1  }
0xa3: {  	[sflag:s23] =	ssyncset.done $0x0  }
0xa4: {  	s25 =	simm.s32 $0x1B8E;
	s24 =	sld [smem:$0x3FFE];
	[sflag:s23] =	ssyncadd.s32 $0xFFFFFFFF  }
0xa5: {  	s26 =	simm.s32 $execute0_lowered;
	[smem:$0x3FD2] =	sst s25  }
0xa6: {  	s4 =	sshll.u32 s26, $0x1;
	_ =	strace $0x80000046;
	[dreg:$0x1] =	wrdreg $0xFFFFFFFF  }
0xa7: {  	s28 =	simm.s32 $_size_execute0_lowered;
	s2 =	sadd.s32 s2, s4;
	[dreg:$0x0] =	wrdreg $0x0  }
0xa8: {  	s4 =	sshll.u32 s28, $0x1;
	[dreg:$0x2] =	wrdreg s2  }
0xa9: {  	[dreg:$0x3] =	wrdreg s4  }
0xaa: {  	[dreg:$0x4] =	wrdreg $0xC0  }
0xab: {  	_ =	task [dreg:s6], $0x5FFFF  }
0xac: {  	[dreg:$0x1] =	wrdreg $0xFFFFFFFF  }
0xad: {  	[dreg:$0x0] =	wrdreg $0x60  }
0xae: {  	[dreg:$0x2] =	wrdreg s24  }
0xaf: {  	[dreg:$0x3] =	wrdreg $0x54000  }
0xb0: {  	[dreg:$0x4] =	wrdreg $0x9  }
0xb1: {  	_ =	task.clear_ibuf [dreg:s6], $0x5FFFF;
	_ =	strace $0x90000046  }
0xb2: {  	s29 =	simm.s32 $0x9;
	_ =	strace $0x80000048  }
0xb3: {  	_ =	swait.ge [sflag:s29], $0x1  }
0xb4: {  	[sflag:s29] =	ssyncadd.s32 $0xFFFFFFFF  }
0xb5: {  	_ =	strace $0x90000048  }
0xb6: {  	_ =	sfence  }
0xb7: {  	s30 =	sld [smem:$0x0];
	_ =	sdelay $0x2  }
0xb8: {  	s31 =	sshll.u32 s1, $0xD;
	s1 =	sshrl.u32 s1, $0x2  }
0xb9: {  	s3 =	sand.u32 $0x4000, s31;
	s1 =	sadd.s32 s1, s30  }
0xba: {  	s0 =	sor.u32 s3, s0;
	s1 =	sshll.u32 s1, $0x11  }
0xbb: {  	s0 =	sor.u32 s1, s0  }
0xbc: {  	s0 =	sadd.s32 $0x8F2B, s0  }
0xbd: {  	[sflag:s0] =	ssyncadd.remote.s32 $0x1  }
0xbe: {  	_ =	sfence.sel $0xFFFF  }
0xbf: {  	[dreg:$0x0] =	wrdreg $0xFFFFFFFF;
	(pc) =	sbr.abs _section_cstart, $3  }
0xc0: {  	[dreg:$0x1] =	wrdreg $0xFFFFFFFF  }
0xc1: {  	_ =	task.clear_ibuf [dreg:s6], $0x2FFFF;
	_ =	strace $0x9FFFFFFF  }
0xc2: {  	(tm) =	ssettm $0x7FFFFFFF  }
0xc3: {  	_ =	shalt  }
tec
execute0_lowered:
.L_overlay_start_1:
0x0: {  	(tag) =	ssettag $0x1  }
0x1: {  	s0 =	srdreg.scid;
	s6 =	rddreg [dreg:$0x0]  }
0x2: {  	s2 =	rddreg [dreg:$0x1];
	s3 =	simm.s32 $0x0;
	s21 =	simm.s32 $0x80  }
0x3: {  	s5 =	sand.u32 $0x1, s0;
	s0 =	stileid.u32;
	[smem:$0x7FF] =	sst s3  }
0x4: {  	s1 =	sshll.u32 s5, $0x4;
	s8 =	smul.u32 $0x28000, s5;
	s9 =	ssub.s32 $0x2, s5  }
0x5: {  	s10 =	smul.u32 $0x50000, s0;
	s5 =	sadd.s32 $0xA400, s6;
	s31 =	sshll.u32 s0, $0x6  }
0x6: {  	s23 =	smul.u32 $0x2800, s0;
	s4 =	sor.u32 s0, s1;
	s1 =	rddreg [dreg:$0x2]  }
0x7: {  	_ =	strace $0x80000047;
	s29 =	sshrl.u32 s9, $0x1;
	s4 =	smul.u32 $0x280, s4  }
0x8: {  	s8 =	sadd.s32 s8, s6;
	s9 =	ssub.s32 s9, s29;
	s30 =	sshrl.u32 s10, $0x2  }
0x9: {  	s10 =	simm.s32 $0x1;
	s11 =	sadd.s32 s30, s2;
	s22 =	sadd.s32 $0xAC00, s8  }
0xa: {  	s8 =	smax.u32 s9, $0x1;
	s7 =	sadd.s32 s4, s6;
	s4 =	sadd.s32 $0xA000, s6  }
0xb: {  	s6 =	sor.u32 $0x1C01, s31;
	s12 =	sadd.s32 $0x2000, s11;
	s13 =	sadd.s32 $0x4000, s11  }
0xc: {  	s14 =	sadd.s32 $0x6000, s11;
	s15 =	sadd.s32 $0x8000, s11;
	s16 =	sadd.s32 $0xA000, s11  }
0xd: {  	s17 =	sadd.s32 $0xC000, s11;
	s18 =	sadd.s32 $0xE000, s11;
	s19 =	sadd.s32 $0x10000, s11  }
0xe: {  	s20 =	sadd.s32 $0x12000, s11;
	s9 =	sshrl.u32 s11, $0x3;
	s22 =	sadd.s32 s23, s22  }
0xf: {  	s23 =	simm.s32 $0x0;
	s7 =	sadd.s32 $0x5000, s7;
	s11 =	sshrl.u32 s12, $0x3  }
0x10: {  	s12 =	sshrl.u32 s13, $0x3;
	s13 =	sshrl.u32 s14, $0x3;
	s14 =	sshrl.u32 s15, $0x3  }
0x11: {  	s15 =	sshrl.u32 s16, $0x3;
	s16 =	sshrl.u32 s17, $0x3;
	s17 =	sshrl.u32 s18, $0x3  }
0x12: {  	s18 =	sshrl.u32 s19, $0x3;
	s19 =	sshrl.u32 s20, $0x3;
	s20 =	simm.s32 $0x1400  }
.LBB2_1:
0x13: {  	[spmem:s9], [sflag:s6] =	dma.local [hbm:s4], $0x400  }
0x14: {  	_ =	swait.ge [sflag:s10], $0x400  }
0x15: {  	[sflag:s10] =	ssyncset.done $0x0  }
0x16: {  	[sflag:s10] =	ssyncadd.s32 $0xFFFFFC00  }
0x17: {  	[spmem:s11], [sflag:s6] =	dma.local [hbm:s4], $0x400  }
0x18: {  	_ =	swait.ge [sflag:s10], $0x400  }
0x19: {  	[sflag:s10] =	ssyncset.done $0x0  }
0x1a: {  	[sflag:s10] =	ssyncadd.s32 $0xFFFFFC00  }
0x1b: {  	[spmem:s12], [sflag:s6] =	dma.local [hbm:s4], $0x400  }
0x1c: {  	_ =	swait.ge [sflag:s10], $0x400  }
0x1d: {  	[sflag:s10] =	ssyncset.done $0x0  }
0x1e: {  	[sflag:s10] =	ssyncadd.s32 $0xFFFFFC00  }
0x1f: {  	[spmem:s13], [sflag:s6] =	dma.local [hbm:s4], $0x400  }
0x20: {  	_ =	swait.ge [sflag:s10], $0x400  }
0x21: {  	[sflag:s10] =	ssyncset.done $0x0  }
0x22: {  	[sflag:s10] =	ssyncadd.s32 $0xFFFFFC00  }
0x23: {  	[spmem:s14], [sflag:s6] =	dma.local [hbm:s4], $0x400  }
0x24: {  	_ =	swait.ge [sflag:s10], $0x400  }
0x25: {  	[sflag:s10] =	ssyncset.done $0x0  }
0x26: {  	[sflag:s10] =	ssyncadd.s32 $0xFFFFFC00  }
0x27: {  	[spmem:s15], [sflag:s6] =	dma.local [hbm:s4], $0x400  }
0x28: {  	_ =	swait.ge [sflag:s10], $0x400  }
0x29: {  	[sflag:s10] =	ssyncset.done $0x0  }
0x2a: {  	[sflag:s10] =	ssyncadd.s32 $0xFFFFFC00  }
0x2b: {  	[spmem:s16], [sflag:s6] =	dma.local [hbm:s4], $0x400  }
0x2c: {  	_ =	swait.ge [sflag:s10], $0x400  }
0x2d: {  	[sflag:s10] =	ssyncset.done $0x0  }
0x2e: {  	[sflag:s10] =	ssyncadd.s32 $0xFFFFFC00  }
0x2f: {  	[spmem:s17], [sflag:s6] =	dma.local [hbm:s4], $0x400  }
0x30: {  	_ =	swait.ge [sflag:s10], $0x400  }
0x31: {  	[sflag:s10] =	ssyncset.done $0x0  }
0x32: {  	[sflag:s10] =	ssyncadd.s32 $0xFFFFFC00  }
0x33: {  	[spmem:s18], [sflag:s6] =	dma.local [hbm:s4], $0x400  }
0x34: {  	_ =	swait.ge [sflag:s10], $0x400  }
0x35: {  	[sflag:s10] =	ssyncset.done $0x0  }
0x36: {  	[sflag:s10] =	ssyncadd.s32 $0xFFFFFC00  }
0x37: {  	[spmem:s19], [sflag:s6] =	dma.local [hbm:s4], $0x400  }
0x38: {  	_ =	swait.ge [sflag:s10], $0x400  }
0x39: {  	[sflag:s10] =	ssyncset.done $0x0  }
0x3a: {  	[sflag:s10] =	ssyncadd.s32 $0xFFFFFC00  }
0x3b: {  	[tilespmem:s20], [sflag:$0x1] =	stream.linear.gather [hbm4b:s5+s3], $0x4000, $0x38;
	[tilespmem:$0x7C00] =	vst v63  }
0x3c: {  	_ =	swait.ge [sflag:s10], $0x4000  }
0x3d: {  	[sflag:s10] =	ssyncset.done $0x0  }
0x3e: {  	[sflag:s10] =	ssyncadd.s32 $0xFFFFC000  }
0x3f: {  	[tilespmem:s3], [sflag:$0x1] =	stream.linear.gather [hbm4b:s7+s3], $0x1400, $0x38;
	[tilespmem:$0x7C00] =	vst v63  }
0x40: {  	_ =	swait.ge [sflag:s10], $0x1400  }
0x41: {  	[sflag:s10] =	ssyncset.done $0x0  }
0x42: {  	[sflag:s10] =	ssyncadd.s32 $0xFFFFEC00  }
0x43: {  	s24 =	simm.s32 $0x0;
	[bflag:$0x0] =	sbarrier.arrive $0xFFFF  }
0x44: {  	[spmem:s2] =	stream.indirect.scatter.add.f32 [tilespmem:s20], [sflag:$0x1], $0x10, s24, s21, $0xb8;
	[tilespmem:$0x7C00] =	vst v63  }
0x45: {  	_ =	swait.ge [sflag:s10], $0x800  }
0x46: {  	s24 =	simm.s32 $0x200;
	[sflag:s10] =	ssyncset.done $0x0  }
.LBB2_2:
0x47: {  	s25 =	sshra.s32 s24, $0x2;
	[sflag:s10] =	ssyncadd.s32 $0xFFFFF800;
	p0 =	sne.s32 s24, $0x4E00  }
0x48: {  	[spmem:s2] =	stream.indirect.scatter.add.f32 [tilespmem:s20], [sflag:$0x1], $0x10, s25, s21, $0xb8;
	[tilespmem:$0x7C00] =	vst v63  }
.Ltmp0:
0x49: {  	_ = 	snop;
	(pc) =	sbr.rel @p0 .LBB2_2-.Ltmp0, $4  }
0x4a: {  	_ = 	snop  }
0x4b: {  	s24 =	sadd.s32 $0x200, s24  }
0x4c: {  	_ =	swait.ge [sflag:s10], $0x800  }
0x4d: {  	[sflag:s10] =	ssyncset.done $0x0  }
0x4e: {  	s23 =	sadd.s32 $0x1, s23  }
0x4f: {  	[sflag:s10] =	ssyncadd.s32 $0xFFFFF800;
	p0 =	sne.s32 s23, s8  }
.Ltmp1:
0x50: {  	[bflag:$0x0] =	sbarrier.arrive $0xFFFF;
	(pc) =	sbr.rel @p0 .LBB2_1-.Ltmp1, $4  }
0x51: {  	[hbm:s22], [sflag:s6] =	dma.local [spmem:s9], $0x2800  }
0x52: {  	_ =	swait.ge [sflag:s10], $0x2800  }
0x53: {  	[sflag:s10] =	ssyncset.done $0x0  }
0x54: {  	[sflag:s10] =	ssyncadd.s32 $0xFFFFD800  }
0x55: {  	_ =	sfence.sel $0x180000  }
0x56: {  	[bflag:$0x0] =	sbarrier.arrive $0xFFFF  }
0x57: {  	p0 =	sne.s32 s0, $0x0;
	_ =	strace $0x90000047  }
0x58: {  	s0 =	sadd.s32 @!p0 $0x100000, s1;
	[bflag:$0x2] =	sbarrier.arrive $0xFFFF  }
0x59: {  	[sflag:s0] =	ssyncadd.tile.s32 @!p0 $0x1;
	_ =	shalt  }
.Lfunc_end2:
_tile_overlayer_lowered:
.L_overlay_start_2:
0x5a: {  	(tag) =	ssettag $0x2  }
0x5b: {  	s0 =	rddreg [dreg:$0x0];
	s2 =	stileid.u32  }
0x5c: {  	s1 =	rddreg [dreg:$0x1];
	p0 =	sne.s32 s2, $0x0  }
0x5d: {  	s3 =	rddreg [dreg:$0x2];
	[bflag:$0x3] =	sbarrier.arrive $0xFFFF;
	s2 =	simm.s32 @!p0 $0x1C01  }
0x5e: {  	[timem:s3], [sflag:s2] =	dma.local @!p0 [hbm:s0], s1  }
0x5f: {  	s0 =	simm.s32 @!p0 $0x1  }
0x60: {  	_ =	swait.ge @!p0 [sflag:s0], s1  }
0x61: {  	s1 =	ssub.s32 @!p0 $0x0, s1;
	[sflag:s0] =	ssyncset.done @!p0 $0x0  }
0x62: {  	[sflag:s0] =	ssyncadd.s32 @!p0 s1  }
0x63: {  	[bflag:$0x3] =	sbarrier.arrive $0xFFFF  }
0x64: {  	_ =	shalt  }

// kernel: kernel.13.cloned.1.call-start
scs
__scs_entry_jumppad:
0x0: {  	(pc) =	sbr.rel $0x88, $3  }
0x1: {  	(tag) =	ssettag $0x0;
	lr =	simm.s32 $0x1  }
0x2: {  	[smem:$0x3F98] =	sst lr;
	_ =	strace $0xD0000000  }
0x3: {  	_ = 	snop  }
0x4: {  	_ = 	snop  }
0x5: {  	_ = 	snop  }
0x6: {  	_ = 	snop  }
0x7: {  	_ = 	snop  }
__scs_overlays_trampoline_lowered:
0x8: {  	[smem:$0x3FA7] =	sst s0  }
0x9: {  	[smem:$0x3FA8] =	sst s1  }
0xa: {  	[smem:$0x3FA9] =	sst s2  }
0xb: {  	[smem:$0x3FAA] =	sst s3  }
0xc: {  	[smem:$0x3FAB] =	sst s4  }
0xd: {  	[smem:$0x3FAC] =	sst s5  }
0xe: {  	[smem:$0x3FAD] =	sst s6  }
0xf: {  	[smem:$0x3FAE] =	sst s7  }
0x10: {  	[smem:$0x3FAF] =	sst s8  }
0x11: {  	[smem:$0x3FB0] =	sst s9;
	s0 =	simm.s32 @!p0 $0x0  }
0x12: {  	s1 =	sld [smem:$0x3F96];
	s0 =	simm.s32 @p0 $0x1  }
0x13: {  	[smem:$0x3FB1] =	sst s0;
	s0 =	simm.s32 @!p1 $0x0  }
0x14: {  	s2 =	sld [smem:$0x3F95];
	s0 =	simm.s32 @p1 $0x1  }
0x15: {  	[smem:$0x3FB2] =	sst s0;
	s0 =	simm.s32 @!p2 $0x0  }
0x16: {  	s3 =	sld [smem:$0x3FDB];
	s0 =	simm.s32 @p2 $0x1  }
0x17: {  	s4 =	simm.s32 $0x1BF5;
	[smem:$0x3FB4] =	sst s0  }
0x18: {  	s0 =	sld [smem:$0x3F97];
	_ =	swait.ge [sflag:s4], $0x0  }
0x19: {  	s7 =	sld [smem:$0x3F98]  }
0x1a: {  	s8 =	sadd.s32 $0xFFFFE003, lr  }
0x1b: {  	s9 =	sadd.s32 $0xFFFFFEF7, lr;
	s5 =	simm.s32 $0xFFFFFFFF;
	p2 =	slt.u32 s8, $0xFFFFF086  }
0x1c: {  	p1 =	slt.u32 s9, $0xF7A;
	s5 =	simm.s32 @!p2 $0x0  }
0x1d: {  	s5 =	simm.s32 @p1 $0x1;
	p0 =	seq.s32 s7, s2  }
0x1e: {  	s7 =	smul.u32 @!p0 $0xF7A, s2;
	p2 =	seq.s32 @!p0 s5, $0x0  }
0x1f: {  	s9 =	smul.u32 $0xF7A, s1;
	s8 =	simm.s32 @!p0 $0x1BF5;
	p2 =	por !p2, p0  }
0x20: {  	[sflag:s8] =	ssyncset.s32 @!p0 $0xFFFFF086;
	s6 =	sadd.s32 @!p0 s3, s7;
	s7 =	simm.s32 @!p0 $0x108  }
0x21: {  	s3 =	sadd.s32 s3, s9;
	s6 =	sadd.s32 @!p0 $0x88, s6;
	s7 =	simm.s32 @p2 $0x1082  }
0x22: {  	[simem:s7], [sflag:s8] =	dma.local @!p0 [hbm:s6], $0xF7A  }
0x23: {  	s9 =	sor.u32 $0xD0000000, s2;
	s6 =	simm.s32 $0x108;
	_ =	swait.ge @!p0 [sflag:s8], $0x0  }
0x24: {  	s3 =	sadd.s32 $0x88, s3;
	s6 =	simm.s32 @!p1 $0x1082;
	[sflag:s4] =	ssyncset.s32 $0xFFFFF086  }
0x25: {  	[simem:s6], [sflag:s4] =	dma.local [hbm:s3], $0xF7A  }
0x26: {  	[smem:$0x3F98] =	sst s1;
	(tag) =	ssettag s2;
	_ =	strace s9  }
0x27: {  	s1 =	sld [smem:$0x3FA8]  }
0x28: {  	s2 =	sld [smem:$0x3FA9]  }
0x29: {  	s4 =	sld [smem:$0x3FAB]  }
0x2a: {  	p0 =	seq.s32 s5, $0x0;
	s5 =	sld [smem:$0x3FAC]  }
0x2b: {  	s6 =	sld [smem:$0x3FAD]  }
0x2c: {  	s7 =	sld [smem:$0x3FAE]  }
0x2d: {  	s3 =	simm.s32 $0x108;
	s8 =	sld [smem:$0x3FAF]  }
0x2e: {  	s3 =	simm.s32 @!p0 $0x1082;
	s9 =	sld [smem:$0x3FB0]  }
0x2f: {  	lr =	sadd.s32 s0, s3;
	s0 =	sld [smem:$0x3FA7]  }
0x30: {  	s3 =	sld [smem:$0x3FAA]  }
0x31: {  	[smem:$0x3FB3] =	sst s10  }
0x32: {  	s10 =	sld [smem:$0x3FB1];
	_ =	sdelay $0x3  }
0x33: {  	p0 =	seq.s32 s10, $0x1;
	s10 =	sld [smem:$0x3FB3];
	_ =	sdelay $0x3  }
0x34: {  	[smem:$0x3FB3] =	sst s10  }
0x35: {  	s10 =	sld [smem:$0x3FB2];
	_ =	sdelay $0x3  }
0x36: {  	p1 =	seq.s32 s10, $0x1;
	s10 =	sld [smem:$0x3FB3];
	_ =	sdelay $0x3  }
0x37: {  	[smem:$0x3FB3] =	sst s10  }
0x38: {  	s10 =	sld [smem:$0x3FB4]  }
0x39: {  	_ = 	snop;
	(pc) =	sbr.ind lr, $3  }
0x3a: {  	_ = 	snop  }
0x3b: {  	_ = 	snop  }
0x3c: {  	p2 =	seq.s32 s10, $0x1;
	s10 =	sld [smem:$0x3FB3]  }
0x3d: {  	_ =	shalt  }
0x3e: {  	_ =	shalt  }
0x3f: {  	_ =	shalt  }
0x40: {  	_ =	shalt  }
0x41: {  	_ =	shalt  }
0x42: {  	_ =	shalt  }
0x43: {  	_ =	shalt  }
0x44: {  	_ =	shalt  }
0x45: {  	_ =	shalt  }
0x46: {  	_ =	shalt  }
0x47: {  	_ =	shalt  }
0x48: {  	_ =	shalt  }
0x49: {  	_ =	shalt  }
0x4a: {  	_ =	shalt  }
0x4b: {  	_ =	shalt  }
0x4c: {  	_ =	shalt  }
0x4d: {  	_ =	shalt  }
0x4e: {  	_ =	shalt  }
0x4f: {  	_ =	shalt  }
0x50: {  	_ =	shalt  }
0x51: {  	_ =	shalt  }
0x52: {  	_ =	shalt  }
0x53: {  	_ =	shalt  }
0x54: {  	_ =	shalt  }
0x55: {  	_ =	shalt  }
0x56: {  	_ =	shalt  }
0x57: {  	_ =	shalt  }
0x58: {  	_ =	shalt  }
0x59: {  	_ =	shalt  }
0x5a: {  	_ =	shalt  }
0x5b: {  	_ =	shalt  }
0x5c: {  	_ =	shalt  }
0x5d: {  	_ =	shalt  }
0x5e: {  	_ =	shalt  }
0x5f: {  	_ =	shalt  }
0x60: {  	_ =	shalt  }
0x61: {  	_ =	shalt  }
0x62: {  	_ =	shalt  }
0x63: {  	_ =	shalt  }
0x64: {  	_ =	shalt  }
0x65: {  	_ =	shalt  }
0x66: {  	_ =	shalt  }
0x67: {  	_ =	shalt  }
0x68: {  	_ =	shalt  }
0x69: {  	_ =	shalt  }
0x6a: {  	_ =	shalt  }
0x6b: {  	_ =	shalt  }
0x6c: {  	_ =	shalt  }
0x6d: {  	_ =	shalt  }
0x6e: {  	_ =	shalt  }
0x6f: {  	_ =	shalt  }
0x70: {  	_ =	shalt  }
0x71: {  	_ =	shalt  }
0x72: {  	_ =	shalt  }
0x73: {  	_ =	shalt  }
0x74: {  	_ =	shalt  }
0x75: {  	_ =	shalt  }
0x76: {  	_ =	shalt  }
0x77: {  	_ =	shalt  }
0x78: {  	_ =	shalt  }
0x79: {  	_ =	shalt  }
0x7a: {  	_ =	shalt  }
0x7b: {  	_ =	shalt  }
0x7c: {  	_ =	shalt  }
0x7d: {  	_ =	shalt  }
0x7e: {  	_ =	shalt  }
0x7f: {  	_ =	shalt  }
0x80: {  	_ =	shalt  }
0x81: {  	_ =	shalt  }
0x82: {  	_ =	shalt  }
0x83: {  	_ =	shalt  }
0x84: {  	_ =	shalt  }
0x85: {  	_ =	shalt  }
0x86: {  	_ =	shalt  }
0x87: {  	_ =	shalt  }
.Lfunc_end0:
.L_simem_size_0:
called_computation.1_lowered:
.L_overlay_start_0:
0x88: {  	s2 =	sld [smem:$0x3FD9]  }
0x89: {  	s3 =	sld [smem:$0x3FFE];
	_ =	sdelay $0x1  }
0x8a: {  	s1 =	srdreg.scid  }
0x8b: {  	s0 =	sand.u32 $0x1, s1  }
0x8c: {  	s17 =	sshll.u32 s0, $0xA;
	s2 =	sadd.s32 s3, s2  }
0x8d: {  	s2 =	sadd.s32 s2, s17  }
0x8e: {  	[smem:$0x3FBF] =	sst s2  }
0x8f: {  	_ = 	snop  }
0x90: {  	s2 =	sld [smem:$0x3FD0];
	(tm) =	ssettm $0x1  }
0x91: {  	s18 =	sld [smem:$0x3FFB];
	_ =	sdelay $0x3  }
0x92: {  	_ =	strace s18  }
0x93: {  	s3 =	sld [smem:$0x3FFC];
	_ =	sdelay $0x3  }
0x94: {  	_ =	strace s3  }
0x95: {  	s3 =	sld [smem:$0x3FFD];
	_ =	sdelay $0x3  }
0x96: {  	_ =	strace s3  }
0x97: {  	_ =	strace $0x8FFFFFFF  }
0x98: {  	s19 =	sld [smem:$0x3FDB];
	_ =	sdelay $0x1  }
0x99: {  	s4 =	simm.s32 $_scs_section_size  }
0x9a: {  	s5 =	simm.s32 $_size__tile_overlayer_lowered;
	s6 =	simm.s32 $_tile_overlayer_lowered  }
0x9b: {  	s22 =	simm.s32 $0x1BFF;
	s21 =	sshll.u32 s6, $0x1;
	s3 =	sadd.s32 s4, s19  }
0x9c: {  	s7 =	simm.s32 $0x0;
	s20 =	sshll.u32 s5, $0x1;
	s5 =	sadd.s32 s21, s3  }
0x9d: {  	[timem:s7], [sflag:s22] =	dma.local [hbm:s5], s20  }
0x9e: {  	_ =	swait.ge [sflag:s22], s20  }
0x9f: {  	s4 =	ssub.s32 $0x0, s20;
	[sflag:s22] =	ssyncset.done $0x0  }
0xa0: {  	[sflag:s22] =	ssyncadd.s32 s4;
	_ =	sdelay $0x1  }
0xa1: {  	s23 =	simm.s32 $0x1B8B  }
0xa2: {  	_ =	swait.ge [sflag:s23], $0x1  }
0xa3: {  	[sflag:s23] =	ssyncset.done $0x0  }
0xa4: {  	s25 =	simm.s32 $0x1B8E;
	s24 =	sld [smem:$0x3FFE];
	[sflag:s23] =	ssyncadd.s32 $0xFFFFFFFF  }
0xa5: {  	s26 =	simm.s32 $execute0_lowered;
	[smem:$0x3FD2] =	sst s25  }
0xa6: {  	s5 =	sshll.u32 s26, $0x1;
	_ =	strace $0x80000049;
	[dreg:$0x1] =	wrdreg $0xFFFFFFFF  }
0xa7: {  	s28 =	simm.s32 $_size_execute0_lowered;
	s3 =	sadd.s32 s3, s5;
	[dreg:$0x0] =	wrdreg $0x0  }
0xa8: {  	s5 =	sshll.u32 s28, $0x1;
	[dreg:$0x2] =	wrdreg s3  }
0xa9: {  	[dreg:$0x3] =	wrdreg s5  }
0xaa: {  	[dreg:$0x4] =	wrdreg $0xC0  }
0xab: {  	_ =	task [dreg:s7], $0x5FFFF  }
0xac: {  	[dreg:$0x1] =	wrdreg $0xFFFFFFFF  }
0xad: {  	[dreg:$0x0] =	wrdreg $0x60  }
0xae: {  	[dreg:$0x2] =	wrdreg s24  }
0xaf: {  	[dreg:$0x3] =	wrdreg s2  }
0xb0: {  	[dreg:$0x4] =	wrdreg $0x90000  }
0xb1: {  	[dreg:$0x5] =	wrdreg $0x9  }
0xb2: {  	_ =	task.clear_ibuf [dreg:s7], $0x6FFFF;
	_ =	strace $0x90000049  }
0xb3: {  	s29 =	simm.s32 $0x9;
	_ =	strace $0x8000004B  }
0xb4: {  	_ =	swait.ge [sflag:s29], $0x1  }
0xb5: {  	[sflag:s29] =	ssyncadd.s32 $0xFFFFFFFF  }
0xb6: {  	_ =	strace $0x9000004B  }
0xb7: {  	_ =	sfence  }
0xb8: {  	s30 =	sld [smem:$0x0];
	_ =	sdelay $0x2  }
0xb9: {  	s31 =	sshll.u32 s1, $0xD;
	s1 =	sshrl.u32 s1, $0x2  }
0xba: {  	s3 =	sand.u32 $0x4000, s31;
	s1 =	sadd.s32 s1, s30  }
0xbb: {  	s0 =	sor.u32 s3, s0;
	s1 =	sshll.u32 s1, $0x11  }
0xbc: {  	s0 =	sor.u32 s1, s0  }
0xbd: {  	s0 =	sadd.s32 $0x8F2B, s0  }
0xbe: {  	[sflag:s0] =	ssyncadd.remote.s32 $0x1  }
0xbf: {  	_ =	sfence.sel $0xFFFF  }
0xc0: {  	[dreg:$0x0] =	wrdreg $0xFFFFFFFF;
	(pc) =	sbr.abs _section_cstart, $3  }
0xc1: {  	[dreg:$0x1] =	wrdreg $0xFFFFFFFF  }
0xc2: {  	_ =	task.clear_ibuf [dreg:s7], $0x2FFFF;
	_ =	strace $0x9FFFFFFF  }
0xc3: {  	(tm) =	ssettm $0x7FFFFFFF  }
tec
execute0_lowered:
.L_overlay_start_1:
0x0: {  	(tag) =	ssettag $0x1  }
0x1: {  	s4 =	rddreg [dreg:$0x0]  }
0x2: {  	s7 =	rddreg [dreg:$0x1]  }
0x3: {  	s2 =	rddreg [dreg:$0x2]  }
0x4: {  	s0 =	rddreg [dreg:$0x3]  }
0x5: {  	s3 =	simm.s32 $0x0;
	s1 =	stileid.u32;
	s5 =	srdreg.scid  }
0x6: {  	s13 =	simm.s32 $0x80;
	s14 =	simm.s32 $0x5000;
	s8 =	smul.u32 $0x500, s1  }
0x7: {  	s15 =	simm.s32 $0x1;
	[smem:$0x7FF] =	sst s3;
	s11 =	smul.u32 $0x50000, s1  }
0x8: {  	s5 =	sand.u32 $0x1, s5;
	s16 =	smul.u32 $0x2800, s1;
	s31 =	sshll.u32 s1, $0x6  }
0x9: {  	_ =	strace $0x8000004A;
	s6 =	smul.u32 $0x28000, s5;
	s5 =	ssub.s32 $0x2, s5  }
0xa: {  	s9 =	sadd.s32 s8, s4;
	s10 =	sshrl.u32 s5, $0x1;
	s30 =	sshrl.u32 s11, $0x2  }
0xb: {  	s7 =	sadd.s32 s7, s8;
	s12 =	sadd.s32 s6, s4;
	s10 =	ssub.s32 s5, s10  }
0xc: {  	s11 =	sadd.s32 s30, s2;
	s6 =	sor.u32 $0x1C02, s31;
	s8 =	sadd.s32 $0x5000, s9  }
0xd: {  	s4 =	sadd.s32 $0x5AC00, s12;
	s17 =	sadd.s32 $0xAAC00, s12;
	s9 =	smax.u32 s10, $0x1  }
0xe: {  	s10 =	sshrl.u32 s11, $0x3;
	s11 =	simm.s32 $0x2;
	s12 =	simm.s32 $0x2800  }
0xf: {  	s5 =	sadd.s32 s16, s4;
	s16 =	sadd.s32 s16, s17;
	s17 =	simm.s32 $0x0  }
.LBB2_1:
0x10: {  	[spmem:s10], [sflag:s6] =	dma.local [hbm:s5], $0x2800  }
0x11: {  	_ =	swait.ge [sflag:s11], $0x2800  }
0x12: {  	[sflag:s11] =	ssyncset.done $0x0  }
0x13: {  	[sflag:s11] =	ssyncadd.s32 $0xFFFFD800  }
0x14: {  	[tilespmem:s3], [sflag:$0x2] =	stream.linear.gather [hbm4b:s7+s3], $0x2800, $0x38;
	[tilespmem:$0x1D000] =	vst v63  }
0x15: {  	_ =	swait.ge [sflag:s11], $0x2800  }
0x16: {  	[sflag:s11] =	ssyncset.done $0x0  }
0x17: {  	[sflag:s11] =	ssyncadd.s32 $0xFFFFD800  }
0x18: {  	[tilespmem:s12], [sflag:$0x2] =	stream.linear.gather [hbm4b:s8+s3], $0x2800, $0x38;
	[tilespmem:$0x1D000] =	vst v63  }
0x19: {  	_ =	swait.ge [sflag:s11], $0x2800  }
0x1a: {  	[sflag:s11] =	ssyncset.done $0x0  }
0x1b: {  	[sflag:s11] =	ssyncadd.s32 $0xFFFFD800  }
0x1c: {  	s18 =	simm.s32 $0x0;
	[bflag:$0x0] =	sbarrier.arrive $0xFFFF  }
0x1d: {  	[tilespmem:s14], [sflag:$0x1] =	stream.indirect.gather [hbm4b:s4+s13], $0x80, s18, s13, $0xb8;
	[tilespmem:$0x1D000] =	vst v63  }
0x1e: {  	_ =	swait.ge [sflag:s15], $0x4000  }
0x1f: {  	[sflag:s15] =	ssyncset.done $0x0  }
0x20: {  	s31 =	simm.s32 $0x2800;
	[sflag:s15] =	ssyncadd.s32 $0xFFFFC000  }
0x21: {  	[spmem:s2] =	stream.indirect.scatter.add.f32 [tilespmem:s14], [sflag:$0x2], $0x80, s31, s13, $0xb8;
	[tilespmem:$0x1D000] =	vst v63  }
0x22: {  	_ =	swait.ge [sflag:s11], $0x4000  }
0x23: {  	s19 =	simm.s32 $0x400;
	s18 =	simm.s32 $0x200;
	[sflag:s11] =	ssyncset.done $0x0  }
.LBB2_2:
0x24: {  	s20 =	sshra.s32 s18, $0x2  }
0x25: {  	[sflag:s11] =	ssyncadd.s32 $0xFFFFC000;
	s18 =	smov.u32 s19;
	s21 =	sadd.s32 $0x200, s19  }
0x26: {  	[tilespmem:s14], [sflag:$0x1] =	stream.indirect.gather [hbm4b:s4+s13], $0x80, s20, s13, $0xb8;
	[tilespmem:$0x1D000] =	vst v63  }
0x27: {  	p0 =	sne.s32 s19, $0x9E00;
	_ =	swait.ge [sflag:s15], $0x4000  }
.Ltmp0:
0x28: {  	[sflag:s15] =	ssyncset.done $0x0;
	(pc) =	sbr.rel @p0 .LBB2_2-.Ltmp0, $4  }
0x29: {  	s19 =	sadd.s32 $0x2800, s20;
	[sflag:s15] =	ssyncadd.s32 $0xFFFFC000  }
0x2a: {  	[spmem:s2] =	stream.indirect.scatter.add.f32 [tilespmem:s14], [sflag:$0x2], $0x80, s19, s13, $0xb8;
	[tilespmem:$0x1D000] =	vst v63  }
0x2b: {  	_ =	swait.ge [sflag:s11], $0x4000  }
0x2c: {  	s19 =	smov.u32 s21;
	[sflag:s11] =	ssyncset.done $0x0  }
0x2d: {  	s18 =	sshra.s32 s18, $0x2;
	[sflag:s11] =	ssyncadd.s32 $0xFFFFC000  }
0x2e: {  	[tilespmem:s14], [sflag:$0x1] =	stream.indirect.gather [hbm4b:s4+s13], $0x80, s18, s13, $0xb8;
	[tilespmem:$0x1D000] =	vst v63  }
0x2f: {  	_ =	swait.ge [sflag:s15], $0x4000  }
0x30: {  	[sflag:s15] =	ssyncset.done $0x0  }
0x31: {  	s18 =	sadd.s32 $0x2800, s18;
	[sflag:s15] =	ssyncadd.s32 $0xFFFFC000  }
0x32: {  	[spmem:s2] =	stream.indirect.scatter.add.f32 [tilespmem:s14], [sflag:$0x2], $0x80, s18, s13, $0xb8;
	[tilespmem:$0x1D000] =	vst v63  }
0x33: {  	_ =	swait.ge [sflag:s11], $0x4000  }
0x34: {  	s17 =	sadd.s32 $0x1, s17;
	[sflag:s11] =	ssyncset.done $0x0  }
0x35: {  	p0 =	sne.s32 s17, s9;
	[sflag:s11] =	ssyncadd.s32 $0xFFFFC000  }
.Ltmp1:
0x36: {  	[bflag:$0x0] =	sbarrier.arrive $0xFFFF;
	(pc) =	sbr.rel @p0 .LBB2_1-.Ltmp1, $4  }
0x37: {  	[hbm:s16], [sflag:s6] =	dma.local [spmem:s10], $0x2800  }
0x38: {  	_ =	swait.ge [sflag:s11], $0x2800  }
0x39: {  	[sflag:s11] =	ssyncset.done $0x0  }
0x3a: {  	[sflag:s11] =	ssyncadd.s32 $0xFFFFD800  }
0x3b: {  	_ =	sfence.sel $0x180000  }
0x3c: {  	[bflag:$0x0] =	sbarrier.arrive $0xFFFF  }
0x3d: {  	p0 =	sne.s32 s1, $0x0;
	_ =	strace $0x9000004A  }
0x3e: {  	s0 =	sadd.s32 @!p0 $0x100000, s0;
	[bflag:$0x2] =	sbarrier.arrive $0xFFFF  }
0x3f: {  	[sflag:s0] =	ssyncadd.tile.s32 @!p0 $0x1;
	_ =	shalt  }
.Lfunc_end2:
_tile_overlayer_lowered:
.L_overlay_start_2:
0x40: {  	(tag) =	ssettag $0x2  }
0x41: {  	s0 =	rddreg [dreg:$0x0];
	s2 =	stileid.u32  }
0x42: {  	s1 =	rddreg [dreg:$0x1];
	p0 =	sne.s32 s2, $0x0  }
0x43: {  	s3 =	rddreg [dreg:$0x2];
	[bflag:$0x3] =	sbarrier.arrive $0xFFFF;
	s2 =	simm.s32 @!p0 $0x1C02  }
0x44: {  	[timem:s3], [sflag:s2] =	dma.local @!p0 [hbm:s0], s1  }
0x45: {  	s0 =	simm.s32 @!p0 $0x2  }
0x46: {  	_ =	swait.ge @!p0 [sflag:s0], s1  }
0x47: {  	s1 =	ssub.s32 @!p0 $0x0, s1;
	[sflag:s0] =	ssyncset.done @!p0 $0x0  }
0x48: {  	[sflag:s0] =	ssyncadd.s32 @!p0 s1  }
0x49: {  	[bflag:$0x3] =	sbarrier.arrive $0xFFFF  }
0x4a: {  	_ =	shalt  }

// kernel: kernel.16.cloned.1.call-start
scs
__scs_entry_jumppad:
0x0: {  	(pc) =	sbr.rel $0x88, $3  }
0x1: {  	(tag) =	ssettag $0x0;
	lr =	simm.s32 $0x1  }
0x2: {  	[smem:$0x3F98] =	sst lr;
	_ =	strace $0xD0000000  }
0x3: {  	_ = 	snop  }
0x4: {  	_ = 	snop  }
0x5: {  	_ = 	snop  }
0x6: {  	_ = 	snop  }
0x7: {  	_ = 	snop  }
__scs_overlays_trampoline_lowered:
0x8: {  	[smem:$0x3FA7] =	sst s0  }
0x9: {  	[smem:$0x3FA8] =	sst s1  }
0xa: {  	[smem:$0x3FA9] =	sst s2  }
0xb: {  	[smem:$0x3FAA] =	sst s3  }
0xc: {  	[smem:$0x3FAB] =	sst s4  }
0xd: {  	[smem:$0x3FAC] =	sst s5  }
0xe: {  	[smem:$0x3FAD] =	sst s6  }
0xf: {  	[smem:$0x3FAE] =	sst s7  }
0x10: {  	[smem:$0x3FAF] =	sst s8  }
0x11: {  	[smem:$0x3FB0] =	sst s9;
	s0 =	simm.s32 @!p0 $0x0  }
0x12: {  	s1 =	sld [smem:$0x3F96];
	s0 =	simm.s32 @p0 $0x1  }
0x13: {  	[smem:$0x3FB1] =	sst s0;
	s0 =	simm.s32 @!p1 $0x0  }
0x14: {  	s2 =	sld [smem:$0x3F95];
	s0 =	simm.s32 @p1 $0x1  }
0x15: {  	[smem:$0x3FB2] =	sst s0;
	s0 =	simm.s32 @!p2 $0x0  }
0x16: {  	s3 =	sld [smem:$0x3FDB];
	s0 =	simm.s32 @p2 $0x1  }
0x17: {  	s4 =	simm.s32 $0x1BF5;
	[smem:$0x3FB4] =	sst s0  }
0x18: {  	s0 =	sld [smem:$0x3F97];
	_ =	swait.ge [sflag:s4], $0x0  }
0x19: {  	s7 =	sld [smem:$0x3F98]  }
0x1a: {  	s8 =	sadd.s32 $0xFFFFE003, lr  }
0x1b: {  	s9 =	sadd.s32 $0xFFFFFEF7, lr;
	s5 =	simm.s32 $0xFFFFFFFF;
	p2 =	slt.u32 s8, $0xFFFFF086  }
0x1c: {  	p1 =	slt.u32 s9, $0xF7A;
	s5 =	simm.s32 @!p2 $0x0  }
0x1d: {  	s5 =	simm.s32 @p1 $0x1;
	p0 =	seq.s32 s7, s2  }
0x1e: {  	s7 =	smul.u32 @!p0 $0xF7A, s2;
	p2 =	seq.s32 @!p0 s5, $0x0  }
0x1f: {  	s9 =	smul.u32 $0xF7A, s1;
	s8 =	simm.s32 @!p0 $0x1BF5;
	p2 =	por !p2, p0  }
0x20: {  	[sflag:s8] =	ssyncset.s32 @!p0 $0xFFFFF086;
	s6 =	sadd.s32 @!p0 s3, s7;
	s7 =	simm.s32 @!p0 $0x108  }
0x21: {  	s3 =	sadd.s32 s3, s9;
	s6 =	sadd.s32 @!p0 $0x88, s6;
	s7 =	simm.s32 @p2 $0x1082  }
0x22: {  	[simem:s7], [sflag:s8] =	dma.local @!p0 [hbm:s6], $0xF7A  }
0x23: {  	s9 =	sor.u32 $0xD0000000, s2;
	s6 =	simm.s32 $0x108;
	_ =	swait.ge @!p0 [sflag:s8], $0x0  }
0x24: {  	s3 =	sadd.s32 $0x88, s3;
	s6 =	simm.s32 @!p1 $0x1082;
	[sflag:s4] =	ssyncset.s32 $0xFFFFF086  }
0x25: {  	[simem:s6], [sflag:s4] =	dma.local [hbm:s3], $0xF7A  }
0x26: {  	[smem:$0x3F98] =	sst s1;
	(tag) =	ssettag s2;
	_ =	strace s9  }
0x27: {  	s1 =	sld [smem:$0x3FA8]  }
0x28: {  	s2 =	sld [smem:$0x3FA9]  }
0x29: {  	s4 =	sld [smem:$0x3FAB]  }
0x2a: {  	p0 =	seq.s32 s5, $0x0;
	s5 =	sld [smem:$0x3FAC]  }
0x2b: {  	s6 =	sld [smem:$0x3FAD]  }
0x2c: {  	s7 =	sld [smem:$0x3FAE]  }
0x2d: {  	s3 =	simm.s32 $0x108;
	s8 =	sld [smem:$0x3FAF]  }
0x2e: {  	s3 =	simm.s32 @!p0 $0x1082;
	s9 =	sld [smem:$0x3FB0]  }
0x2f: {  	lr =	sadd.s32 s0, s3;
	s0 =	sld [smem:$0x3FA7]  }
0x30: {  	s3 =	sld [smem:$0x3FAA]  }
0x31: {  	[smem:$0x3FB3] =	sst s10  }
0x32: {  	s10 =	sld [smem:$0x3FB1];
	_ =	sdelay $0x3  }
0x33: {  	p0 =	seq.s32 s10, $0x1;
	s10 =	sld [smem:$0x3FB3];
	_ =	sdelay $0x3  }
0x34: {  	[smem:$0x3FB3] =	sst s10  }
0x35: {  	s10 =	sld [smem:$0x3FB2];
	_ =	sdelay $0x3  }
0x36: {  	p1 =	seq.s32 s10, $0x1;
	s10 =	sld [smem:$0x3FB3];
	_ =	sdelay $0x3  }
0x37: {  	[smem:$0x3FB3] =	sst s10  }
0x38: {  	s10 =	sld [smem:$0x3FB4]  }
0x39: {  	_ = 	snop;
	(pc) =	sbr.ind lr, $3  }
0x3a: {  	_ = 	snop  }
0x3b: {  	_ = 	snop  }
0x3c: {  	p2 =	seq.s32 s10, $0x1;
	s10 =	sld [smem:$0x3FB3]  }
0x3d: {  	_ =	shalt  }
0x3e: {  	_ =	shalt  }
0x3f: {  	_ =	shalt  }
0x40: {  	_ =	shalt  }
0x41: {  	_ =	shalt  }
0x42: {  	_ =	shalt  }
0x43: {  	_ =	shalt  }
0x44: {  	_ =	shalt  }
0x45: {  	_ =	shalt  }
0x46: {  	_ =	shalt  }
0x47: {  	_ =	shalt  }
0x48: {  	_ =	shalt  }
0x49: {  	_ =	shalt  }
0x4a: {  	_ =	shalt  }
0x4b: {  	_ =	shalt  }
0x4c: {  	_ =	shalt  }
0x4d: {  	_ =	shalt  }
0x4e: {  	_ =	shalt  }
0x4f: {  	_ =	shalt  }
0x50: {  	_ =	shalt  }
0x51: {  	_ =	shalt  }
0x52: {  	_ =	shalt  }
0x53: {  	_ =	shalt  }
0x54: {  	_ =	shalt  }
0x55: {  	_ =	shalt  }
0x56: {  	_ =	shalt  }
0x57: {  	_ =	shalt  }
0x58: {  	_ =	shalt  }
0x59: {  	_ =	shalt  }
0x5a: {  	_ =	shalt  }
0x5b: {  	_ =	shalt  }
0x5c: {  	_ =	shalt  }
0x5d: {  	_ =	shalt  }
0x5e: {  	_ =	shalt  }
0x5f: {  	_ =	shalt  }
0x60: {  	_ =	shalt  }
0x61: {  	_ =	shalt  }
0x62: {  	_ =	shalt  }
0x63: {  	_ =	shalt  }
0x64: {  	_ =	shalt  }
0x65: {  	_ =	shalt  }
0x66: {  	_ =	shalt  }
0x67: {  	_ =	shalt  }
0x68: {  	_ =	shalt  }
0x69: {  	_ =	shalt  }
0x6a: {  	_ =	shalt  }
0x6b: {  	_ =	shalt  }
0x6c: {  	_ =	shalt  }
0x6d: {  	_ =	shalt  }
0x6e: {  	_ =	shalt  }
0x6f: {  	_ =	shalt  }
0x70: {  	_ =	shalt  }
0x71: {  	_ =	shalt  }
0x72: {  	_ =	shalt  }
0x73: {  	_ =	shalt  }
0x74: {  	_ =	shalt  }
0x75: {  	_ =	shalt  }
0x76: {  	_ =	shalt  }
0x77: {  	_ =	shalt  }
0x78: {  	_ =	shalt  }
0x79: {  	_ =	shalt  }
0x7a: {  	_ =	shalt  }
0x7b: {  	_ =	shalt  }
0x7c: {  	_ =	shalt  }
0x7d: {  	_ =	shalt  }
0x7e: {  	_ =	shalt  }
0x7f: {  	_ =	shalt  }
0x80: {  	_ =	shalt  }
0x81: {  	_ =	shalt  }
0x82: {  	_ =	shalt  }
0x83: {  	_ =	shalt  }
0x84: {  	_ =	shalt  }
0x85: {  	_ =	shalt  }
0x86: {  	_ =	shalt  }
0x87: {  	_ =	shalt  }
.Lfunc_end0:
.L_simem_size_0:
called_computation.2_lowered:
.L_overlay_start_0:
0x88: {  	s2 =	sld [smem:$0x3FD9]  }
0x89: {  	s3 =	sld [smem:$0x3FFE];
	_ =	sdelay $0x1  }
0x8a: {  	s1 =	srdreg.scid  }
0x8b: {  	s0 =	sand.u32 $0x1, s1  }
0x8c: {  	s17 =	sshll.u32 s0, $0xA;
	s2 =	sadd.s32 s3, s2  }
0x8d: {  	s2 =	sadd.s32 s2, s17  }
0x8e: {  	[smem:$0x3FBF] =	sst s2  }
0x8f: {  	_ = 	snop  }
0x90: {  	s2 =	sld [smem:$0x3FD0];
	(tm) =	ssettm $0x1  }
0x91: {  	s18 =	sld [smem:$0x3FFB];
	_ =	sdelay $0x3  }
0x92: {  	_ =	strace s18  }
0x93: {  	s3 =	sld [smem:$0x3FFC];
	_ =	sdelay $0x3  }
0x94: {  	_ =	strace s3  }
0x95: {  	s3 =	sld [smem:$0x3FFD];
	_ =	sdelay $0x3  }
0x96: {  	_ =	strace s3  }
0x97: {  	_ =	strace $0x8FFFFFFF  }
0x98: {  	s19 =	sld [smem:$0x3FDB];
	_ =	sdelay $0x1  }
0x99: {  	s4 =	simm.s32 $_scs_section_size  }
0x9a: {  	s5 =	simm.s32 $_size__tile_overlayer_lowered;
	s6 =	simm.s32 $_tile_overlayer_lowered  }
0x9b: {  	s22 =	simm.s32 $0x1BFF;
	s21 =	sshll.u32 s6, $0x1;
	s3 =	sadd.s32 s4, s19  }
0x9c: {  	s7 =	simm.s32 $0x0;
	s20 =	sshll.u32 s5, $0x1;
	s5 =	sadd.s32 s21, s3  }
0x9d: {  	[timem:s7], [sflag:s22] =	dma.local [hbm:s5], s20  }
0x9e: {  	_ =	swait.ge [sflag:s22], s20  }
0x9f: {  	s4 =	ssub.s32 $0x0, s20;
	[sflag:s22] =	ssyncset.done $0x0  }
0xa0: {  	[sflag:s22] =	ssyncadd.s32 s4;
	_ =	sdelay $0x1  }
0xa1: {  	s23 =	simm.s32 $0x1B8B  }
0xa2: {  	_ =	swait.ge [sflag:s23], $0x1  }
0xa3: {  	[sflag:s23] =	ssyncset.done $0x0  }
0xa4: {  	s25 =	simm.s32 $0x1B8E;
	s24 =	sld [smem:$0x3FFE];
	[sflag:s23] =	ssyncadd.s32 $0xFFFFFFFF  }
0xa5: {  	s26 =	simm.s32 $execute0_lowered;
	[smem:$0x3FD2] =	sst s25  }
0xa6: {  	s5 =	sshll.u32 s26, $0x1;
	_ =	strace $0x8000004C;
	[dreg:$0x1] =	wrdreg $0xFFFFFFFF  }
0xa7: {  	s28 =	simm.s32 $_size_execute0_lowered;
	s3 =	sadd.s32 s3, s5;
	[dreg:$0x0] =	wrdreg $0x0  }
0xa8: {  	s5 =	sshll.u32 s28, $0x1;
	[dreg:$0x2] =	wrdreg s3  }
0xa9: {  	[dreg:$0x3] =	wrdreg s5  }
0xaa: {  	[dreg:$0x4] =	wrdreg $0xC0  }
0xab: {  	_ =	task [dreg:s7], $0x5FFFF  }
0xac: {  	[dreg:$0x1] =	wrdreg $0xFFFFFFFF  }
0xad: {  	[dreg:$0x0] =	wrdreg $0x60  }
0xae: {  	[dreg:$0x2] =	wrdreg s24  }
0xaf: {  	[dreg:$0x3] =	wrdreg s2  }
0xb0: {  	[dreg:$0x4] =	wrdreg $0x90000  }
0xb1: {  	[dreg:$0x5] =	wrdreg $0x9  }
0xb2: {  	_ =	task.clear_ibuf [dreg:s7], $0x6FFFF;
	_ =	strace $0x9000004C  }
0xb3: {  	s29 =	simm.s32 $0x9;
	_ =	strace $0x8000004E  }
0xb4: {  	_ =	swait.ge [sflag:s29], $0x1  }
0xb5: {  	[sflag:s29] =	ssyncadd.s32 $0xFFFFFFFF  }
0xb6: {  	_ =	strace $0x9000004E  }
0xb7: {  	_ =	sfence  }
0xb8: {  	s30 =	sld [smem:$0x0];
	_ =	sdelay $0x2  }
0xb9: {  	s31 =	sshll.u32 s1, $0xD;
	s1 =	sshrl.u32 s1, $0x2  }
0xba: {  	s3 =	sand.u32 $0x4000, s31;
	s1 =	sadd.s32 s1, s30  }
0xbb: {  	s0 =	sor.u32 s3, s0;
	s1 =	sshll.u32 s1, $0x11  }
0xbc: {  	s0 =	sor.u32 s1, s0  }
0xbd: {  	s0 =	sadd.s32 $0x8F2B, s0  }
0xbe: {  	[sflag:s0] =	ssyncadd.remote.s32 $0x1  }
0xbf: {  	_ =	sfence.sel $0xFFFF  }
0xc0: {  	[dreg:$0x0] =	wrdreg $0xFFFFFFFF;
	(pc) =	sbr.abs _section_cstart, $3  }
0xc1: {  	[dreg:$0x1] =	wrdreg $0xFFFFFFFF  }
0xc2: {  	_ =	task.clear_ibuf [dreg:s7], $0x2FFFF;
	_ =	strace $0x9FFFFFFF  }
0xc3: {  	(tm) =	ssettm $0x7FFFFFFF  }
tec
execute0_lowered:
.L_overlay_start_1:
0x0: {  	(tag) =	ssettag $0x1  }
0x1: {  	s4 =	rddreg [dreg:$0x0]  }
0x2: {  	s7 =	rddreg [dreg:$0x1]  }
0x3: {  	s2 =	rddreg [dreg:$0x2]  }
0x4: {  	s0 =	rddreg [dreg:$0x3]  }
0x5: {  	s3 =	simm.s32 $0x0;
	s1 =	stileid.u32;
	s5 =	srdreg.scid  }
0x6: {  	s13 =	simm.s32 $0x80;
	s14 =	simm.s32 $0x5000;
	s8 =	smul.u32 $0x500, s1  }
0x7: {  	s15 =	simm.s32 $0x1;
	[smem:$0x7FF] =	sst s3;
	s11 =	smul.u32 $0x50000, s1  }
0x8: {  	s5 =	sand.u32 $0x1, s5;
	s16 =	smul.u32 $0x2800, s1;
	s31 =	sshll.u32 s1, $0x6  }
0x9: {  	_ =	strace $0x8000004D;
	s6 =	smul.u32 $0x28000, s5;
	s5 =	ssub.s32 $0x2, s5  }
0xa: {  	s9 =	sadd.s32 s8, s4;
	s10 =	sshrl.u32 s5, $0x1;
	s30 =	sshrl.u32 s11, $0x2  }
0xb: {  	s7 =	sadd.s32 s7, s8;
	s12 =	sadd.s32 s6, s4;
	s10 =	ssub.s32 s5, s10  }
0xc: {  	s11 =	sadd.s32 s30, s2;
	s6 =	sor.u32 $0x1C02, s31;
	s8 =	sadd.s32 $0x5000, s9  }
0xd: {  	s4 =	sadd.s32 $0x5AC00, s12;
	s17 =	sadd.s32 $0xAAC00, s12;
	s9 =	smax.u32 s10, $0x1  }
0xe: {  	s10 =	sshrl.u32 s11, $0x3;
	s11 =	simm.s32 $0x2;
	s12 =	simm.s32 $0x2800  }
0xf: {  	s5 =	sadd.s32 s16, s4;
	s16 =	sadd.s32 s16, s17;
	s17 =	simm.s32 $0x0  }
.LBB2_1:
0x10: {  	[spmem:s10], [sflag:s6] =	dma.local [hbm:s5], $0x2800  }
0x11: {  	_ =	swait.ge [sflag:s11], $0x2800  }
0x12: {  	[sflag:s11] =	ssyncset.done $0x0  }
0x13: {  	[sflag:s11] =	ssyncadd.s32 $0xFFFFD800  }
0x14: {  	[tilespmem:s3], [sflag:$0x2] =	stream.linear.gather [hbm4b:s7+s3], $0x2800, $0x38;
	[tilespmem:$0x1D000] =	vst v63  }
0x15: {  	_ =	swait.ge [sflag:s11], $0x2800  }
0x16: {  	[sflag:s11] =	ssyncset.done $0x0  }
0x17: {  	[sflag:s11] =	ssyncadd.s32 $0xFFFFD800  }
0x18: {  	[tilespmem:s12], [sflag:$0x2] =	stream.linear.gather [hbm4b:s8+s3], $0x2800, $0x38;
	[tilespmem:$0x1D000] =	vst v63  }
0x19: {  	_ =	swait.ge [sflag:s11], $0x2800  }
0x1a: {  	[sflag:s11] =	ssyncset.done $0x0  }
0x1b: {  	[sflag:s11] =	ssyncadd.s32 $0xFFFFD800  }
0x1c: {  	s18 =	simm.s32 $0x0;
	[bflag:$0x0] =	sbarrier.arrive $0xFFFF  }
0x1d: {  	[tilespmem:s14], [sflag:$0x1] =	stream.indirect.gather [hbm4b:s4+s13], $0x80, s18, s13, $0xb8;
	[tilespmem:$0x1D000] =	vst v63  }
0x1e: {  	_ =	swait.ge [sflag:s15], $0x4000  }
0x1f: {  	[sflag:s15] =	ssyncset.done $0x0  }
0x20: {  	s31 =	simm.s32 $0x2800;
	[sflag:s15] =	ssyncadd.s32 $0xFFFFC000  }
0x21: {  	[spmem:s2] =	stream.indirect.scatter.add.f32 [tilespmem:s14], [sflag:$0x2], $0x80, s31, s13, $0xb8;
	[tilespmem:$0x1D000] =	vst v63  }
0x22: {  	_ =	swait.ge [sflag:s11], $0x4000  }
0x23: {  	s19 =	simm.s32 $0x400;
	s18 =	simm.s32 $0x200;
	[sflag:s11] =	ssyncset.done $0x0  }
.LBB2_2:
0x24: {  	s20 =	sshra.s32 s18, $0x2  }
0x25: {  	[sflag:s11] =	ssyncadd.s32 $0xFFFFC000;
	s18 =	smov.u32 s19;
	s21 =	sadd.s32 $0x200, s19  }
0x26: {  	[tilespmem:s14], [sflag:$0x1] =	stream.indirect.gather [hbm4b:s4+s13], $0x80, s20, s13, $0xb8;
	[tilespmem:$0x1D000] =	vst v63  }
0x27: {  	p0 =	sne.s32 s19, $0x9E00;
	_ =	swait.ge [sflag:s15], $0x4000  }
.Ltmp0:
0x28: {  	[sflag:s15] =	ssyncset.done $0x0;
	(pc) =	sbr.rel @p0 .LBB2_2-.Ltmp0, $4  }
0x29: {  	s19 =	sadd.s32 $0x2800, s20;
	[sflag:s15] =	ssyncadd.s32 $0xFFFFC000  }
0x2a: {  	[spmem:s2] =	stream.indirect.scatter.add.f32 [tilespmem:s14], [sflag:$0x2], $0x80, s19, s13, $0xb8;
	[tilespmem:$0x1D000] =	vst v63  }
0x2b: {  	_ =	swait.ge [sflag:s11], $0x4000  }
0x2c: {  	s19 =	smov.u32 s21;
	[sflag:s11] =	ssyncset.done $0x0  }
0x2d: {  	s18 =	sshra.s32 s18, $0x2;
	[sflag:s11] =	ssyncadd.s32 $0xFFFFC000  }
0x2e: {  	[tilespmem:s14], [sflag:$0x1] =	stream.indirect.gather [hbm4b:s4+s13], $0x80, s18, s13, $0xb8;
	[tilespmem:$0x1D000] =	vst v63  }
0x2f: {  	_ =	swait.ge [sflag:s15], $0x4000  }
0x30: {  	[sflag:s15] =	ssyncset.done $0x0  }
0x31: {  	s18 =	sadd.s32 $0x2800, s18;
	[sflag:s15] =	ssyncadd.s32 $0xFFFFC000  }
0x32: {  	[spmem:s2] =	stream.indirect.scatter.add.f32 [tilespmem:s14], [sflag:$0x2], $0x80, s18, s13, $0xb8;
	[tilespmem:$0x1D000] =	vst v63  }
0x33: {  	_ =	swait.ge [sflag:s11], $0x4000  }
0x34: {  	s17 =	sadd.s32 $0x1, s17;
	[sflag:s11] =	ssyncset.done $0x0  }
0x35: {  	p0 =	sne.s32 s17, s9;
	[sflag:s11] =	ssyncadd.s32 $0xFFFFC000  }
.Ltmp1:
0x36: {  	[bflag:$0x0] =	sbarrier.arrive $0xFFFF;
	(pc) =	sbr.rel @p0 .LBB2_1-.Ltmp1, $4  }
0x37: {  	[hbm:s16], [sflag:s6] =	dma.local [spmem:s10], $0x2800  }
0x38: {  	_ =	swait.ge [sflag:s11], $0x2800  }
0x39: {  	[sflag:s11] =	ssyncset.done $0x0  }
0x3a: {  	[sflag:s11] =	ssyncadd.s32 $0xFFFFD800  }
0x3b: {  	_ =	sfence.sel $0x180000  }
0x3c: {  	[bflag:$0x0] =	sbarrier.arrive $0xFFFF  }
0x3d: {  	p0 =	sne.s32 s1, $0x0;
	_ =	strace $0x9000004D  }
0x3e: {  	s0 =	sadd.s32 @!p0 $0x100000, s0;
	[bflag:$0x2] =	sbarrier.arrive $0xFFFF  }
0x3f: {  	[sflag:s0] =	ssyncadd.tile.s32 @!p0 $0x1;
	_ =	shalt  }
.Lfunc_end2:
_tile_overlayer_lowered:
.L_overlay_start_2:
0x40: {  	(tag) =	ssettag $0x2  }
0x41: {  	s0 =	rddreg [dreg:$0x0];
	s2 =	stileid.u32  }
0x42: {  	s1 =	rddreg [dreg:$0x1];
	p0 =	sne.s32 s2, $0x0  }
0x43: {  	s3 =	rddreg [dreg:$0x2];
	[bflag:$0x3] =	sbarrier.arrive $0xFFFF;
	s2 =	simm.s32 @!p0 $0x1C02  }
0x44: {  	[timem:s3], [sflag:s2] =	dma.local @!p0 [hbm:s0], s1  }
0x45: {  	s0 =	simm.s32 @!p0 $0x2  }
0x46: {  	_ =	swait.ge @!p0 [sflag:s0], s1  }
0x47: {  	s1 =	ssub.s32 @!p0 $0x0, s1;
	[sflag:s0] =	ssyncset.done @!p0 $0x0  }
0x48: {  	[sflag:s0] =	ssyncadd.s32 @!p0 s1  }
0x49: {  	[bflag:$0x3] =	sbarrier.arrive $0xFFFF  }
0x4a: {  	_ =	shalt  }

</sc_bundles>
